<compile_context>
chip_gen: v7x
topology: tpu7x:2x2x1
jax: 0.10.2.dev20260603
libtpu: 0.0.44.dev20260713+nightly
codegen_flags: <defaults>
</compile_context>

<pallas_src>
import functools
import jax
import jax.numpy as jnp
from jax import lax
from jax.experimental import pallas as pl
from jax.experimental.pallas import tpu as pltpu
from jax.experimental.pallas import tpu_sc as plsc


CHUNK_ROWS = 32


def kernel(tokens, W_pos):
    batch = tokens.shape[0]
    seq_len = tokens.shape[1]
    d = W_pos.shape[1]

    info = plsc.get_sparse_core_info()
    nw = info.num_cores * info.num_subcores
    rows_per_w = seq_len // nw
    nchunk = rows_per_w // CHUNK_ROWS

    mesh = plsc.VectorSubcoreMesh(core_axis_name="c", subcore_axis_name="s")

    @functools.partial(
        pl.kernel,
        mesh=mesh,
        out_type=jax.ShapeDtypeStruct((batch, seq_len, d), W_pos.dtype),
        scratch_types=[
            pltpu.VMEM((CHUNK_ROWS, d), W_pos.dtype),
            pltpu.SemaphoreType.DMA,
            pltpu.SemaphoreType.DMA,
        ],
    )
    def sc_copy(w_hbm, out_hbm, buf, rsem, wsem):
        wid = lax.axis_index("s") * info.num_cores + lax.axis_index("c")
        base = wid * rows_per_w

        def read(i):
            return pltpu.make_async_copy(
                w_hbm.at[pl.ds(base + i * CHUNK_ROWS, CHUNK_ROWS), :],
                buf, rsem)

        def write(i, b):
            return pltpu.make_async_copy(
                buf,
                out_hbm.at[b, pl.ds(base + i * CHUNK_ROWS, CHUNK_ROWS), :],
                wsem)

        for i in range(nchunk):
            read(i).start()
            read(i).wait()
            for b in range(batch):
                write(i, b).start()
            for b in range(batch):
                write(i, b).wait()

    return sc_copy(W_pos[:seq_len])

# --- scband reference (transcript-rebuilt; emitter-appended) ---
"""Pipeline reference for scband-pos-embed-67559835566461 (READ-ONLY COPY).

The authoritative reference and input builder live on the scoring server;
editing this copy changes nothing except your own understanding.
"""

import jax, jax.numpy as jnp
import numpy as np

MAX_LENGTH = 8192
D_RESIDUAL = 2048
INIT_RANGE = 0.02


def setup_inputs(seed: int = 0) -> dict:
    key = jax.random.key(seed)
    k_tok, k_w = jax.random.split(key)
    tokens = jax.random.randint(k_tok, (4, 8192), 0, 50257, dtype=jnp.int64)
    W_pos = jax.random.normal(k_w, (MAX_LENGTH, D_RESIDUAL), dtype=jnp.float32) * INIT_RANGE
    return {"tokens": tokens, "W_pos": W_pos}


def reference(tokens, W_pos):
    # pos_embed = W_pos[:tokens.size(1), :]
    seq_len = tokens.shape[1]
    batch = tokens.shape[0]
    pos_embed = W_pos[:seq_len, :]
    # einops.repeat 'position d_residual -> batch position d_residual'
    pos_embed = jnp.broadcast_to(pos_embed[None, :, :], (batch, seq_len, pos_embed.shape[1]))
    return pos_embed

if __name__ == "__main__":
    import jax
    _d = setup_inputs()
    print(jax.jit(kernel)(*tuple(_d.values())))

</pallas_src>

<mosaic_0001>
#map = affine_map<(d0, d1) -> (0, 0)>
#map1 = affine_map<(d0, d1) -> (0, 0, 0)>
module attributes {stable_mosaic.version = 14 : i64} {
  func.func @sc_copy(%arg0: i32, %arg1: i32, %arg2: memref<8192x2048xf32, #tpu.memory_space<hbm>>, %arg3: memref<4x8192x2048xf32, #tpu.memory_space<hbm>>, %arg4: memref<32x2048xf32, #tpu.memory_space<vmem>>, %arg5: memref<!tpu.dma_semaphore, #tpu.memory_space<semaphore_mem>>, %arg6: memref<!tpu.dma_semaphore, #tpu.memory_space<semaphore_mem>>) attributes {dimension_semantics = [#tpu.dimension_semantics<core_parallel>, #tpu.dimension_semantics<subcore_parallel>], iteration_bounds = array<i64: 2, 16>, scalar_prefetch = 0 : i64, scratch_operands = 3 : i64, tpu.core_type = #tpu.core_type<sc_vector_subcore>, window_params = [{transform_indices = #map}, {transform_indices = #map1}]} {
    %mul3A = arith.constant 2 : i32
    %mul3A_0 = arith.muli %arg1, %mul3A : i32
    %add3A = arith.addi %mul3A_0, %arg0 : i32
    %mul3A_1 = arith.constant 256 : i32
    %mul3A_2 = arith.muli %add3A, %mul3A_1 : i32
    %add3A_3 = arith.constant 0 : i32
    %add3A_4 = arith.addi %mul3A_2, %add3A_3 : i32
    %dma_start3A = arith.constant 0 : i32
    %dma_start3A_5 = tpu.memref_slice %arg2[%add3A_4, %dma_start3A] : memref<8192x2048xf32, #tpu.memory_space<hbm>> -> memref<32x2048xf32, #tpu.memory_space<hbm>>
    %dma_start3A_6 = arith.constant 0 : i32
    %dma_start3A_7 = tpu.memref_slice %arg2[%add3A_4, %dma_start3A_6] : memref<8192x2048xf32, #tpu.memory_space<hbm>> -> memref<32x2048xf32, #tpu.memory_space<hbm>>
    tpu.enqueue_dma source(%dma_start3A_7 : memref<32x2048xf32, #tpu.memory_space<hbm>>) target(%arg4 : memref<32x2048xf32, #tpu.memory_space<vmem>>) target_semaphore(%arg5 : memref<!tpu.dma_semaphore, #tpu.memory_space<semaphore_mem>>)
    %add3A_8 = arith.constant 0 : i32
    %add3A_9 = arith.addi %mul3A_2, %add3A_8 : i32
    %dma_wait3A = arith.constant 0 : i32
    %dma_wait3A_10 = tpu.memref_slice %arg2[%add3A_9, %dma_wait3A] : memref<8192x2048xf32, #tpu.memory_space<hbm>> -> memref<32x2048xf32, #tpu.memory_space<hbm>>
    %dma_wait3A_11 = arith.constant 0 : i32
    %dma_wait3A_12 = tpu.memref_slice %arg2[%add3A_9, %dma_wait3A_11] : memref<8192x2048xf32, #tpu.memory_space<hbm>> -> memref<32x2048xf32, #tpu.memory_space<hbm>>
    tpu.wait_dma2 semaphore(%arg5 : memref<!tpu.dma_semaphore, #tpu.memory_space<semaphore_mem>>) src(%dma_wait3A_12 : memref<32x2048xf32, #tpu.memory_space<hbm>>) dst(%arg4 : memref<32x2048xf32, #tpu.memory_space<vmem>>)
    %add3A_13 = arith.constant 0 : i32
    %add3A_14 = arith.addi %mul3A_2, %add3A_13 : i32
    %dma_start3A_15 = arith.constant 0 : i32
    %dma_start3A_16 = arith.constant 0 : i32
    %dma_start3A_17 = tpu.memref_slice %arg3[%dma_start3A_15, %add3A_14, %dma_start3A_16] : memref<4x8192x2048xf32, #tpu.memory_space<hbm>> -> memref<1x32x2048xf32, #tpu.memory_space<hbm>>
    %dma_start3A_18 = tpu.memref_squeeze %dma_start3A_17 : memref<1x32x2048xf32, #tpu.memory_space<hbm>> -> memref<32x2048xf32, #tpu.memory_space<hbm>>
    %dma_start3A_19 = arith.constant 0 : i32
    %dma_start3A_20 = tpu.memref_slice %arg3[%dma_start3A_15, %add3A_14, %dma_start3A_19] : memref<4x8192x2048xf32, #tpu.memory_space<hbm>> -> memref<1x32x2048xf32, #tpu.memory_space<hbm>>
    %dma_start3A_21 = tpu.memref_squeeze %dma_start3A_20 : memref<1x32x2048xf32, #tpu.memory_space<hbm>> -> memref<32x2048xf32, #tpu.memory_space<hbm>>
    tpu.enqueue_dma source(%arg4 : memref<32x2048xf32, #tpu.memory_space<vmem>>) target(%dma_start3A_21 : memref<32x2048xf32, #tpu.memory_space<hbm>>) target_semaphore(%arg6 : memref<!tpu.dma_semaphore, #tpu.memory_space<semaphore_mem>>)
    %add3A_22 = arith.constant 0 : i32
    %add3A_23 = arith.addi %mul3A_2, %add3A_22 : i32
    %dma_start3A_24 = arith.constant 1 : i32
    %dma_start3A_25 = arith.constant 0 : i32
    %dma_start3A_26 = tpu.memref_slice %arg3[%dma_start3A_24, %add3A_23, %dma_start3A_25] : memref<4x8192x2048xf32, #tpu.memory_space<hbm>> -> memref<1x32x2048xf32, #tpu.memory_space<hbm>>
    %dma_start3A_27 = tpu.memref_squeeze %dma_start3A_26 : memref<1x32x2048xf32, #tpu.memory_space<hbm>> -> memref<32x2048xf32, #tpu.memory_space<hbm>>
    %dma_start3A_28 = arith.constant 0 : i32
    %dma_start3A_29 = tpu.memref_slice %arg3[%dma_start3A_24, %add3A_23, %dma_start3A_28] : memref<4x8192x2048xf32, #tpu.memory_space<hbm>> -> memref<1x32x2048xf32, #tpu.memory_space<hbm>>
    %dma_start3A_30 = tpu.memref_squeeze %dma_start3A_29 : memref<1x32x2048xf32, #tpu.memory_space<hbm>> -> memref<32x2048xf32, #tpu.memory_space<hbm>>
    tpu.enqueue_dma source(%arg4 : memref<32x2048xf32, #tpu.memory_space<vmem>>) target(%dma_start3A_30 : memref<32x2048xf32, #tpu.memory_space<hbm>>) target_semaphore(%arg6 : memref<!tpu.dma_semaphore, #tpu.memory_space<semaphore_mem>>)
    %add3A_31 = arith.constant 0 : i32
    %add3A_32 = arith.addi %mul3A_2, %add3A_31 : i32
    %dma_start3A_33 = arith.constant 2 : i32
    %dma_start3A_34 = arith.constant 0 : i32
    %dma_start3A_35 = tpu.memref_slice %arg3[%dma_start3A_33, %add3A_32, %dma_start3A_34] : memref<4x8192x2048xf32, #tpu.memory_space<hbm>> -> memref<1x32x2048xf32, #tpu.memory_space<hbm>>
    %dma_start3A_36 = tpu.memref_squeeze %dma_start3A_35 : memref<1x32x2048xf32, #tpu.memory_space<hbm>> -> memref<32x2048xf32, #tpu.memory_space<hbm>>
    %dma_start3A_37 = arith.constant 0 : i32
    %dma_start3A_38 = tpu.memref_slice %arg3[%dma_start3A_33, %add3A_32, %dma_start3A_37] : memref<4x8192x2048xf32, #tpu.memory_space<hbm>> -> memref<1x32x2048xf32, #tpu.memory_space<hbm>>
    %dma_start3A_39 = tpu.memref_squeeze %dma_start3A_38 : memref<1x32x2048xf32, #tpu.memory_space<hbm>> -> memref<32x2048xf32, #tpu.memory_space<hbm>>
    tpu.enqueue_dma source(%arg4 : memref<32x2048xf32, #tpu.memory_space<vmem>>) target(%dma_start3A_39 : memref<32x2048xf32, #tpu.memory_space<hbm>>) target_semaphore(%arg6 : memref<!tpu.dma_semaphore, #tpu.memory_space<semaphore_mem>>)
    %add3A_40 = arith.constant 0 : i32
    %add3A_41 = arith.addi %mul3A_2, %add3A_40 : i32
    %dma_start3A_42 = arith.constant 3 : i32
    %dma_start3A_43 = arith.constant 0 : i32
    %dma_start3A_44 = tpu.memref_slice %arg3[%dma_start3A_42, %add3A_41, %dma_start3A_43] : memref<4x8192x2048xf32, #tpu.memory_space<hbm>> -> memref<1x32x2048xf32, #tpu.memory_space<hbm>>
    %dma_start3A_45 = tpu.memref_squeeze %dma_start3A_44 : memref<1x32x2048xf32, #tpu.memory_space<hbm>> -> memref<32x2048xf32, #tpu.memory_space<hbm>>
    %dma_start3A_46 = arith.constant 0 : i32
    %dma_start3A_47 = tpu.memref_slice %arg3[%dma_start3A_42, %add3A_41, %dma_start3A_46] : memref<4x8192x2048xf32, #tpu.memory_space<hbm>> -> memref<1x32x2048xf32, #tpu.memory_space<hbm>>
    %dma_start3A_48 = tpu.memref_squeeze %dma_start3A_47 : memref<1x32x2048xf32, #tpu.memory_space<hbm>> -> memref<32x2048xf32, #tpu.memory_space<hbm>>
    tpu.enqueue_dma source(%arg4 : memref<32x2048xf32, #tpu.memory_space<vmem>>) target(%dma_start3A_48 : memref<32x2048xf32, #tpu.memory_space<hbm>>) target_semaphore(%arg6 : memref<!tpu.dma_semaphore, #tpu.memory_space<semaphore_mem>>)
    %add3A_49 = arith.constant 0 : i32
    %add3A_50 = arith.addi %mul3A_2, %add3A_49 : i32
    %dma_wait3A_51 = arith.constant 0 : i32
    %dma_wait3A_52 = arith.constant 0 : i32
    %dma_wait3A_53 = tpu.memref_slice %arg3[%dma_wait3A_51, %add3A_50, %dma_wait3A_52] : memref<4x8192x2048xf32, #tpu.memory_space<hbm>> -> memref<1x32x2048xf32, #tpu.memory_space<hbm>>
    %dma_wait3A_54 = tpu.memref_squeeze %dma_wait3A_53 : memref<1x32x2048xf32, #tpu.memory_space<hbm>> -> memref<32x2048xf32, #tpu.memory_space<hbm>>
    %dma_wait3A_55 = arith.constant 0 : i32
    %dma_wait3A_56 = tpu.memref_slice %arg3[%dma_wait3A_51, %add3A_50, %dma_wait3A_55] : memref<4x8192x2048xf32, #tpu.memory_space<hbm>> -> memref<1x32x2048xf32, #tpu.memory_space<hbm>>
    %dma_wait3A_57 = tpu.memref_squeeze %dma_wait3A_56 : memref<1x32x2048xf32, #tpu.memory_space<hbm>> -> memref<32x2048xf32, #tpu.memory_space<hbm>>
    tpu.wait_dma2 semaphore(%arg6 : memref<!tpu.dma_semaphore, #tpu.memory_space<semaphore_mem>>) src(%arg4 : memref<32x2048xf32, #tpu.memory_space<vmem>>) dst(%dma_wait3A_57 : memref<32x2048xf32, #tpu.memory_space<hbm>>)
    %add3A_58 = arith.constant 0 : i32
    %add3A_59 = arith.addi %mul3A_2, %add3A_58 : i32
    %dma_wait3A_60 = arith.constant 1 : i32
    %dma_wait3A_61 = arith.constant 0 : i32
    %dma_wait3A_62 = tpu.memref_slice %arg3[%dma_wait3A_60, %add3A_59, %dma_wait3A_61] : memref<4x8192x2048xf32, #tpu.memory_space<hbm>> -> memref<1x32x2048xf32, #tpu.memory_space<hbm>>
    %dma_wait3A_63 = tpu.memref_squeeze %dma_wait3A_62 : memref<1x32x2048xf32, #tpu.memory_space<hbm>> -> memref<32x2048xf32, #tpu.memory_space<hbm>>
    %dma_wait3A_64 = arith.constant 0 : i32
    %dma_wait3A_65 = tpu.memref_slice %arg3[%dma_wait3A_60, %add3A_59, %dma_wait3A_64] : memref<4x8192x2048xf32, #tpu.memory_space<hbm>> -> memref<1x32x2048xf32, #tpu.memory_space<hbm>>
    %dma_wait3A_66 = tpu.memref_squeeze %dma_wait3A_65 : memref<1x32x2048xf32, #tpu.memory_space<hbm>> -> memref<32x2048xf32, #tpu.memory_space<hbm>>
    tpu.wait_dma2 semaphore(%arg6 : memref<!tpu.dma_semaphore, #tpu.memory_space<semaphore_mem>>) src(%arg4 : memref<32x2048xf32, #tpu.memory_space<vmem>>) dst(%dma_wait3A_66 : memref<32x2048xf32, #tpu.memory_space<hbm>>)
    %add3A_67 = arith.constant 0 : i32
    %add3A_68 = arith.addi %mul3A_2, %add3A_67 : i32
    %dma_wait3A_69 = arith.constant 2 : i32
    %dma_wait3A_70 = arith.constant 0 : i32
    %dma_wait3A_71 = tpu.memref_slice %arg3[%dma_wait3A_69, %add3A_68, %dma_wait3A_70] : memref<4x8192x2048xf32, #tpu.memory_space<hbm>> -> memref<1x32x2048xf32, #tpu.memory_space<hbm>>
    %dma_wait3A_72 = tpu.memref_squeeze %dma_wait3A_71 : memref<1x32x2048xf32, #tpu.memory_space<hbm>> -> memref<32x2048xf32, #tpu.memory_space<hbm>>
    %dma_wait3A_73 = arith.constant 0 : i32
    %dma_wait3A_74 = tpu.memref_slice %arg3[%dma_wait3A_69, %add3A_68, %dma_wait3A_73] : memref<4x8192x2048xf32, #tpu.memory_space<hbm>> -> memref<1x32x2048xf32, #tpu.memory_space<hbm>>
    %dma_wait3A_75 = tpu.memref_squeeze %dma_wait3A_74 : memref<1x32x2048xf32, #tpu.memory_space<hbm>> -> memref<32x2048xf32, #tpu.memory_space<hbm>>
    tpu.wait_dma2 semaphore(%arg6 : memref<!tpu.dma_semaphore, #tpu.memory_space<semaphore_mem>>) src(%arg4 : memref<32x2048xf32, #tpu.memory_space<vmem>>) dst(%dma_wait3A_75 : memref<32x2048xf32, #tpu.memory_space<hbm>>)
    %add3A_76 = arith.constant 0 : i32
    %add3A_77 = arith.addi %mul3A_2, %add3A_76 : i32
    %dma_wait3A_78 = arith.constant 3 : i32
    %dma_wait3A_79 = arith.constant 0 : i32
    %dma_wait3A_80 = tpu.memref_slice %arg3[%dma_wait3A_78, %add3A_77, %dma_wait3A_79] : memref<4x8192x2048xf32, #tpu.memory_space<hbm>> -> memref<1x32x2048xf32, #tpu.memory_space<hbm>>
    %dma_wait3A_81 = tpu.memref_squeeze %dma_wait3A_80 : memref<1x32x2048xf32, #tpu.memory_space<hbm>> -> memref<32x2048xf32, #tpu.memory_space<hbm>>
    %dma_wait3A_82 = arith.constant 0 : i32
    %dma_wait3A_83 = tpu.memref_slice %arg3[%dma_wait3A_78, %add3A_77, %dma_wait3A_82] : memref<4x8192x2048xf32, #tpu.memory_space<hbm>> -> memref<1x32x2048xf32, #tpu.memory_space<hbm>>
    %dma_wait3A_84 = tpu.memref_squeeze %dma_wait3A_83 : memref<1x32x2048xf32, #tpu.memory_space<hbm>> -> memref<32x2048xf32, #tpu.memory_space<hbm>>
    tpu.wait_dma2 semaphore(%arg6 : memref<!tpu.dma_semaphore, #tpu.memory_space<semaphore_mem>>) src(%arg4 : memref<32x2048xf32, #tpu.memory_space<vmem>>) dst(%dma_wait3A_84 : memref<32x2048xf32, #tpu.memory_space<hbm>>)
    %add3A_85 = arith.constant 32 : i32
    %add3A_86 = arith.addi %mul3A_2, %add3A_85 : i32
    %dma_start3A_87 = arith.constant 0 : i32
    %dma_start3A_88 = tpu.memref_slice %arg2[%add3A_86, %dma_start3A_87] : memref<8192x2048xf32, #tpu.memory_space<hbm>> -> memref<32x2048xf32, #tpu.memory_space<hbm>>
    %dma_start3A_89 = arith.constant 0 : i32
    %dma_start3A_90 = tpu.memref_slice %arg2[%add3A_86, %dma_start3A_89] : memref<8192x2048xf32, #tpu.memory_space<hbm>> -> memref<32x2048xf32, #tpu.memory_space<hbm>>
    tpu.enqueue_dma source(%dma_start3A_90 : memref<32x2048xf32, #tpu.memory_space<hbm>>) target(%arg4 : memref<32x2048xf32, #tpu.memory_space<vmem>>) target_semaphore(%arg5 : memref<!tpu.dma_semaphore, #tpu.memory_space<semaphore_mem>>)
    %add3A_91 = arith.constant 32 : i32
    %add3A_92 = arith.addi %mul3A_2, %add3A_91 : i32
    %dma_wait3A_93 = arith.constant 0 : i32
    %dma_wait3A_94 = tpu.memref_slice %arg2[%add3A_92, %dma_wait3A_93] : memref<8192x2048xf32, #tpu.memory_space<hbm>> -> memref<32x2048xf32, #tpu.memory_space<hbm>>
    %dma_wait3A_95 = arith.constant 0 : i32
    %dma_wait3A_96 = tpu.memref_slice %arg2[%add3A_92, %dma_wait3A_95] : memref<8192x2048xf32, #tpu.memory_space<hbm>> -> memref<32x2048xf32, #tpu.memory_space<hbm>>
    tpu.wait_dma2 semaphore(%arg5 : memref<!tpu.dma_semaphore, #tpu.memory_space<semaphore_mem>>) src(%dma_wait3A_96 : memref<32x2048xf32, #tpu.memory_space<hbm>>) dst(%arg4 : memref<32x2048xf32, #tpu.memory_space<vmem>>)
    %add3A_97 = arith.constant 32 : i32
    %add3A_98 = arith.addi %mul3A_2, %add3A_97 : i32
    %dma_start3A_99 = arith.constant 0 : i32
    %dma_start3A_100 = arith.constant 0 : i32
    %dma_start3A_101 = tpu.memref_slice %arg3[%dma_start3A_99, %add3A_98, %dma_start3A_100] : memref<4x8192x2048xf32, #tpu.memory_space<hbm>> -> memref<1x32x2048xf32, #tpu.memory_space<hbm>>
    %dma_start3A_102 = tpu.memref_squeeze %dma_start3A_101 : memref<1x32x2048xf32, #tpu.memory_space<hbm>> -> memref<32x2048xf32, #tpu.memory_space<hbm>>
    %dma_start3A_103 = arith.constant 0 : i32
    %dma_start3A_104 = tpu.memref_slice %arg3[%dma_start3A_99, %add3A_98, %dma_start3A_103] : memref<4x8192x2048xf32, #tpu.memory_space<hbm>> -> memref<1x32x2048xf32, #tpu.memory_space<hbm>>
    %dma_start3A_105 = tpu.memref_squeeze %dma_start3A_104 : memref<1x32x2048xf32, #tpu.memory_space<hbm>> -> memref<32x2048xf32, #tpu.memory_space<hbm>>
    tpu.enqueue_dma source(%arg4 : memref<32x2048xf32, #tpu.memory_space<vmem>>) target(%dma_start3A_105 : memref<32x2048xf32, #tpu.memory_space<hbm>>) target_semaphore(%arg6 : memref<!tpu.dma_semaphore, #tpu.memory_space<semaphore_mem>>)
    %add3A_106 = arith.constant 32 : i32
    %add3A_107 = arith.addi %mul3A_2, %add3A_106 : i32
    %dma_start3A_108 = arith.constant 1 : i32
    %dma_start3A_109 = arith.constant 0 : i32
    %dma_start3A_110 = tpu.memref_slice %arg3[%dma_start3A_108, %add3A_107, %dma_start3A_109] : memref<4x8192x2048xf32, #tpu.memory_space<hbm>> -> memref<1x32x2048xf32, #tpu.memory_space<hbm>>
    %dma_start3A_111 = tpu.memref_squeeze %dma_start3A_110 : memref<1x32x2048xf32, #tpu.memory_space<hbm>> -> memref<32x2048xf32, #tpu.memory_space<hbm>>
    %dma_start3A_112 = arith.constant 0 : i32
    %dma_start3A_113 = tpu.memref_slice %arg3[%dma_start3A_108, %add3A_107, %dma_start3A_112] : memref<4x8192x2048xf32, #tpu.memory_space<hbm>> -> memref<1x32x2048xf32, #tpu.memory_space<hbm>>
    %dma_start3A_114 = tpu.memref_squeeze %dma_start3A_113 : memref<1x32x2048xf32, #tpu.memory_space<hbm>> -> memref<32x2048xf32, #tpu.memory_space<hbm>>
    tpu.enqueue_dma source(%arg4 : memref<32x2048xf32, #tpu.memory_space<vmem>>) target(%dma_start3A_114 : memref<32x2048xf32, #tpu.memory_space<hbm>>) target_semaphore(%arg6 : memref<!tpu.dma_semaphore, #tpu.memory_space<semaphore_mem>>)
    %add3A_115 = arith.constant 32 : i32
    %add3A_116 = arith.addi %mul3A_2, %add3A_115 : i32
    %dma_start3A_117 = arith.constant 2 : i32
    %dma_start3A_118 = arith.constant 0 : i32
    %dma_start3A_119 = tpu.memref_slice %arg3[%dma_start3A_117, %add3A_116, %dma_start3A_118] : memref<4x8192x2048xf32, #tpu.memory_space<hbm>> -> memref<1x32x2048xf32, #tpu.memory_space<hbm>>
    %dma_start3A_120 = tpu.memref_squeeze %dma_start3A_119 : memref<1x32x2048xf32, #tpu.memory_space<hbm>> -> memref<32x2048xf32, #tpu.memory_space<hbm>>
    %dma_start3A_121 = arith.constant 0 : i32
    %dma_start3A_122 = tpu.memref_slice %arg3[%dma_start3A_117, %add3A_116, %dma_start3A_121] : memref<4x8192x2048xf32, #tpu.memory_space<hbm>> -> memref<1x32x2048xf32, #tpu.memory_space<hbm>>
    %dma_start3A_123 = tpu.memref_squeeze %dma_start3A_122 : memref<1x32x2048xf32, #tpu.memory_space<hbm>> -> memref<32x2048xf32, #tpu.memory_space<hbm>>
    tpu.enqueue_dma source(%arg4 : memref<32x2048xf32, #tpu.memory_space<vmem>>) target(%dma_start3A_123 : memref<32x2048xf32, #tpu.memory_space<hbm>>) target_semaphore(%arg6 : memref<!tpu.dma_semaphore, #tpu.memory_space<semaphore_mem>>)
    %add3A_124 = arith.constant 32 : i32
    %add3A_125 = arith.addi %mul3A_2, %add3A_124 : i32
    %dma_start3A_126 = arith.constant 3 : i32
    %dma_start3A_127 = arith.constant 0 : i32
    %dma_start3A_128 = tpu.memref_slice %arg3[%dma_start3A_126, %add3A_125, %dma_start3A_127] : memref<4x8192x2048xf32, #tpu.memory_space<hbm>> -> memref<1x32x2048xf32, #tpu.memory_space<hbm>>
    %dma_start3A_129 = tpu.memref_squeeze %dma_start3A_128 : memref<1x32x2048xf32, #tpu.memory_space<hbm>> -> memref<32x2048xf32, #tpu.memory_space<hbm>>
    %dma_start3A_130 = arith.constant 0 : i32
    %dma_start3A_131 = tpu.memref_slice %arg3[%dma_start3A_126, %add3A_125, %dma_start3A_130] : memref<4x8192x2048xf32, #tpu.memory_space<hbm>> -> memref<1x32x2048xf32, #tpu.memory_space<hbm>>
    %dma_start3A_132 = tpu.memref_squeeze %dma_start3A_131 : memref<1x32x2048xf32, #tpu.memory_space<hbm>> -> memref<32x2048xf32, #tpu.memory_space<hbm>>
    tpu.enqueue_dma source(%arg4 : memref<32x2048xf32, #tpu.memory_space<vmem>>) target(%dma_start3A_132 : memref<32x2048xf32, #tpu.memory_space<hbm>>) target_semaphore(%arg6 : memref<!tpu.dma_semaphore, #tpu.memory_space<semaphore_mem>>)
    %add3A_133 = arith.constant 32 : i32
    %add3A_134 = arith.addi %mul3A_2, %add3A_133 : i32
    %dma_wait3A_135 = arith.constant 0 : i32
    %dma_wait3A_136 = arith.constant 0 : i32
    %dma_wait3A_137 = tpu.memref_slice %arg3[%dma_wait3A_135, %add3A_134, %dma_wait3A_136] : memref<4x8192x2048xf32, #tpu.memory_space<hbm>> -> memref<1x32x2048xf32, #tpu.memory_space<hbm>>
    %dma_wait3A_138 = tpu.memref_squeeze %dma_wait3A_137 : memref<1x32x2048xf32, #tpu.memory_space<hbm>> -> memref<32x2048xf32, #tpu.memory_space<hbm>>
    %dma_wait3A_139 = arith.constant 0 : i32
    %dma_wait3A_140 = tpu.memref_slice %arg3[%dma_wait3A_135, %add3A_134, %dma_wait3A_139] : memref<4x8192x2048xf32, #tpu.memory_space<hbm>> -> memref<1x32x2048xf32, #tpu.memory_space<hbm>>
    %dma_wait3A_141 = tpu.memref_squeeze %dma_wait3A_140 : memref<1x32x2048xf32, #tpu.memory_space<hbm>> -> memref<32x2048xf32, #tpu.memory_space<hbm>>
    tpu.wait_dma2 semaphore(%arg6 : memref<!tpu.dma_semaphore, #tpu.memory_space<semaphore_mem>>) src(%arg4 : memref<32x2048xf32, #tpu.memory_space<vmem>>) dst(%dma_wait3A_141 : memref<32x2048xf32, #tpu.memory_space<hbm>>)
    %add3A_142 = arith.constant 32 : i32
    %add3A_143 = arith.addi %mul3A_2, %add3A_142 : i32
    %dma_wait3A_144 = arith.constant 1 : i32
    %dma_wait3A_145 = arith.constant 0 : i32
    %dma_wait3A_146 = tpu.memref_slice %arg3[%dma_wait3A_144, %add3A_143, %dma_wait3A_145] : memref<4x8192x2048xf32, #tpu.memory_space<hbm>> -> memref<1x32x2048xf32, #tpu.memory_space<hbm>>
    %dma_wait3A_147 = tpu.memref_squeeze %dma_wait3A_146 : memref<1x32x2048xf32, #tpu.memory_space<hbm>> -> memref<32x2048xf32, #tpu.memory_space<hbm>>
    %dma_wait3A_148 = arith.constant 0 : i32
    %dma_wait3A_149 = tpu.memref_slice %arg3[%dma_wait3A_144, %add3A_143, %dma_wait3A_148] : memref<4x8192x2048xf32, #tpu.memory_space<hbm>> -> memref<1x32x2048xf32, #tpu.memory_space<hbm>>
    %dma_wait3A_150 = tpu.memref_squeeze %dma_wait3A_149 : memref<1x32x2048xf32, #tpu.memory_space<hbm>> -> memref<32x2048xf32, #tpu.memory_space<hbm>>
    tpu.wait_dma2 semaphore(%arg6 : memref<!tpu.dma_semaphore, #tpu.memory_space<semaphore_mem>>) src(%arg4 : memref<32x2048xf32, #tpu.memory_space<vmem>>) dst(%dma_wait3A_150 : memref<32x2048xf32, #tpu.memory_space<hbm>>)
    %add3A_151 = arith.constant 32 : i32
    %add3A_152 = arith.addi %mul3A_2, %add3A_151 : i32
    %dma_wait3A_153 = arith.constant 2 : i32
    %dma_wait3A_154 = arith.constant 0 : i32
    %dma_wait3A_155 = tpu.memref_slice %arg3[%dma_wait3A_153, %add3A_152, %dma_wait3A_154] : memref<4x8192x2048xf32, #tpu.memory_space<hbm>> -> memref<1x32x2048xf32, #tpu.memory_space<hbm>>
    %dma_wait3A_156 = tpu.memref_squeeze %dma_wait3A_155 : memref<1x32x2048xf32, #tpu.memory_space<hbm>> -> memref<32x2048xf32, #tpu.memory_space<hbm>>
    %dma_wait3A_157 = arith.constant 0 : i32
    %dma_wait3A_158 = tpu.memref_slice %arg3[%dma_wait3A_153, %add3A_152, %dma_wait3A_157] : memref<4x8192x2048xf32, #tpu.memory_space<hbm>> -> memref<1x32x2048xf32, #tpu.memory_space<hbm>>
    %dma_wait3A_159 = tpu.memref_squeeze %dma_wait3A_158 : memref<1x32x2048xf32, #tpu.memory_space<hbm>> -> memref<32x2048xf32, #tpu.memory_space<hbm>>
    tpu.wait_dma2 semaphore(%arg6 : memref<!tpu.dma_semaphore, #tpu.memory_space<semaphore_mem>>) src(%arg4 : memref<32x2048xf32, #tpu.memory_space<vmem>>) dst(%dma_wait3A_159 : memref<32x2048xf32, #tpu.memory_space<hbm>>)
    %add3A_160 = arith.constant 32 : i32
    %add3A_161 = arith.addi %mul3A_2, %add3A_160 : i32
    %dma_wait3A_162 = arith.constant 3 : i32
    %dma_wait3A_163 = arith.constant 0 : i32
    %dma_wait3A_164 = tpu.memref_slice %arg3[%dma_wait3A_162, %add3A_161, %dma_wait3A_163] : memref<4x8192x2048xf32, #tpu.memory_space<hbm>> -> memref<1x32x2048xf32, #tpu.memory_space<hbm>>
    %dma_wait3A_165 = tpu.memref_squeeze %dma_wait3A_164 : memref<1x32x2048xf32, #tpu.memory_space<hbm>> -> memref<32x2048xf32, #tpu.memory_space<hbm>>
    %dma_wait3A_166 = arith.constant 0 : i32
    %dma_wait3A_167 = tpu.memref_slice %arg3[%dma_wait3A_162, %add3A_161, %dma_wait3A_166] : memref<4x8192x2048xf32, #tpu.memory_space<hbm>> -> memref<1x32x2048xf32, #tpu.memory_space<hbm>>
    %dma_wait3A_168 = tpu.memref_squeeze %dma_wait3A_167 : memref<1x32x2048xf32, #tpu.memory_space<hbm>> -> memref<32x2048xf32, #tpu.memory_space<hbm>>
    tpu.wait_dma2 semaphore(%arg6 : memref<!tpu.dma_semaphore, #tpu.memory_space<semaphore_mem>>) src(%arg4 : memref<32x2048xf32, #tpu.memory_space<vmem>>) dst(%dma_wait3A_168 : memref<32x2048xf32, #tpu.memory_space<hbm>>)
    %add3A_169 = arith.constant 64 : i32
    %add3A_170 = arith.addi %mul3A_2, %add3A_169 : i32
    %dma_start3A_171 = arith.constant 0 : i32
    %dma_start3A_172 = tpu.memref_slice %arg2[%add3A_170, %dma_start3A_171] : memref<8192x2048xf32, #tpu.memory_space<hbm>> -> memref<32x2048xf32, #tpu.memory_space<hbm>>
    %dma_start3A_173 = arith.constant 0 : i32
    %dma_start3A_174 = tpu.memref_slice %arg2[%add3A_170, %dma_start3A_173] : memref<8192x2048xf32, #tpu.memory_space<hbm>> -> memref<32x2048xf32, #tpu.memory_space<hbm>>
    tpu.enqueue_dma source(%dma_start3A_174 : memref<32x2048xf32, #tpu.memory_space<hbm>>) target(%arg4 : memref<32x2048xf32, #tpu.memory_space<vmem>>) target_semaphore(%arg5 : memref<!tpu.dma_semaphore, #tpu.memory_space<semaphore_mem>>)
    %add3A_175 = arith.constant 64 : i32
    %add3A_176 = arith.addi %mul3A_2, %add3A_175 : i32
    %dma_wait3A_177 = arith.constant 0 : i32
    %dma_wait3A_178 = tpu.memref_slice %arg2[%add3A_176, %dma_wait3A_177] : memref<8192x2048xf32, #tpu.memory_space<hbm>> -> memref<32x2048xf32, #tpu.memory_space<hbm>>
    %dma_wait3A_179 = arith.constant 0 : i32
    %dma_wait3A_180 = tpu.memref_slice %arg2[%add3A_176, %dma_wait3A_179] : memref<8192x2048xf32, #tpu.memory_space<hbm>> -> memref<32x2048xf32, #tpu.memory_space<hbm>>
    tpu.wait_dma2 semaphore(%arg5 : memref<!tpu.dma_semaphore, #tpu.memory_space<semaphore_mem>>) src(%dma_wait3A_180 : memref<32x2048xf32, #tpu.memory_space<hbm>>) dst(%arg4 : memref<32x2048xf32, #tpu.memory_space<vmem>>)
    %add3A_181 = arith.constant 64 : i32
    %add3A_182 = arith.addi %mul3A_2, %add3A_181 : i32
    %dma_start3A_183 = arith.constant 0 : i32
    %dma_start3A_184 = arith.constant 0 : i32
    %dma_start3A_185 = tpu.memref_slice %arg3[%dma_start3A_183, %add3A_182, %dma_start3A_184] : memref<4x8192x2048xf32, #tpu.memory_space<hbm>> -> memref<1x32x2048xf32, #tpu.memory_space<hbm>>
    %dma_start3A_186 = tpu.memref_squeeze %dma_start3A_185 : memref<1x32x2048xf32, #tpu.memory_space<hbm>> -> memref<32x2048xf32, #tpu.memory_space<hbm>>
    %dma_start3A_187 = arith.constant 0 : i32
    %dma_start3A_188 = tpu.memref_slice %arg3[%dma_start3A_183, %add3A_182, %dma_start3A_187] : memref<4x8192x2048xf32, #tpu.memory_space<hbm>> -> memref<1x32x2048xf32, #tpu.memory_space<hbm>>
    %dma_start3A_189 = tpu.memref_squeeze %dma_start3A_188 : memref<1x32x2048xf32, #tpu.memory_space<hbm>> -> memref<32x2048xf32, #tpu.memory_space<hbm>>
    tpu.enqueue_dma source(%arg4 : memref<32x2048xf32, #tpu.memory_space<vmem>>) target(%dma_start3A_189 : memref<32x2048xf32, #tpu.memory_space<hbm>>) target_semaphore(%arg6 : memref<!tpu.dma_semaphore, #tpu.memory_space<semaphore_mem>>)
    %add3A_190 = arith.constant 64 : i32
    %add3A_191 = arith.addi %mul3A_2, %add3A_190 : i32
    %dma_start3A_192 = arith.constant 1 : i32
    %dma_start3A_193 = arith.constant 0 : i32
    %dma_start3A_194 = tpu.memref_slice %arg3[%dma_start3A_192, %add3A_191, %dma_start3A_193] : memref<4x8192x2048xf32, #tpu.memory_space<hbm>> -> memref<1x32x2048xf32, #tpu.memory_space<hbm>>
    %dma_start3A_195 = tpu.memref_squeeze %dma_start3A_194 : memref<1x32x2048xf32, #tpu.memory_space<hbm>> -> memref<32x2048xf32, #tpu.memory_space<hbm>>
    %dma_start3A_196 = arith.constant 0 : i32
    %dma_start3A_197 = tpu.memref_slice %arg3[%dma_start3A_192, %add3A_191, %dma_start3A_196] : memref<4x8192x2048xf32, #tpu.memory_space<hbm>> -> memref<1x32x2048xf32, #tpu.memory_space<hbm>>
    %dma_start3A_198 = tpu.memref_squeeze %dma_start3A_197 : memref<1x32x2048xf32, #tpu.memory_space<hbm>> -> memref<32x2048xf32, #tpu.memory_space<hbm>>
    tpu.enqueue_dma source(%arg4 : memref<32x2048xf32, #tpu.memory_space<vmem>>) target(%dma_start3A_198 : memref<32x2048xf32, #tpu.memory_space<hbm>>) target_semaphore(%arg6 : memref<!tpu.dma_semaphore, #tpu.memory_space<semaphore_mem>>)
    %add3A_199 = arith.constant 64 : i32
    %add3A_200 = arith.addi %mul3A_2, %add3A_199 : i32
    %dma_start3A_201 = arith.constant 2 : i32
    %dma_start3A_202 = arith.constant 0 : i32
    %dma_start3A_203 = tpu.memref_slice %arg3[%dma_start3A_201, %add3A_200, %dma_start3A_202] : memref<4x8192x2048xf32, #tpu.memory_space<hbm>> -> memref<1x32x2048xf32, #tpu.memory_space<hbm>>
    %dma_start3A_204 = tpu.memref_squeeze %dma_start3A_203 : memref<1x32x2048xf32, #tpu.memory_space<hbm>> -> memref<32x2048xf32, #tpu.memory_space<hbm>>
    %dma_start3A_205 = arith.constant 0 : i32
    %dma_start3A_206 = tpu.memref_slice %arg3[%dma_start3A_201, %add3A_200, %dma_start3A_205] : memref<4x8192x2048xf32, #tpu.memory_space<hbm>> -> memref<1x32x2048xf32, #tpu.memory_space<hbm>>
    %dma_start3A_207 = tpu.memref_squeeze %dma_start3A_206 : memref<1x32x2048xf32, #tpu.memory_space<hbm>> -> memref<32x2048xf32, #tpu.memory_space<hbm>>
    tpu.enqueue_dma source(%arg4 : memref<32x2048xf32, #tpu.memory_space<vmem>>) target(%dma_start3A_207 : memref<32x2048xf32, #tpu.memory_space<hbm>>) target_semaphore(%arg6 : memref<!tpu.dma_semaphore, #tpu.memory_space<semaphore_mem>>)
    %add3A_208 = arith.constant 64 : i32
    %add3A_209 = arith.addi %mul3A_2, %add3A_208 : i32
    %dma_start3A_210 = arith.constant 3 : i32
    %dma_start3A_211 = arith.constant 0 : i32
    %dma_start3A_212 = tpu.memref_slice %arg3[%dma_start3A_210, %add3A_209, %dma_start3A_211] : memref<4x8192x2048xf32, #tpu.memory_space<hbm>> -> memref<1x32x2048xf32, #tpu.memory_space<hbm>>
    %dma_start3A_213 = tpu.memref_squeeze %dma_start3A_212 : memref<1x32x2048xf32, #tpu.memory_space<hbm>> -> memref<32x2048xf32, #tpu.memory_space<hbm>>
    %dma_start3A_214 = arith.constant 0 : i32
    %dma_start3A_215 = tpu.memref_slice %arg3[%dma_start3A_210, %add3A_209, %dma_start3A_214] : memref<4x8192x2048xf32, #tpu.memory_space<hbm>> -> memref<1x32x2048xf32, #tpu.memory_space<hbm>>
    %dma_start3A_216 = tpu.memref_squeeze %dma_start3A_215 : memref<1x32x2048xf32, #tpu.memory_space<hbm>> -> memref<32x2048xf32, #tpu.memory_space<hbm>>
    tpu.enqueue_dma source(%arg4 : memref<32x2048xf32, #tpu.memory_space<vmem>>) target(%dma_start3A_216 : memref<32x2048xf32, #tpu.memory_space<hbm>>) target_semaphore(%arg6 : memref<!tpu.dma_semaphore, #tpu.memory_space<semaphore_mem>>)
    %add3A_217 = arith.constant 64 : i32
    %add3A_218 = arith.addi %mul3A_2, %add3A_217 : i32
    %dma_wait3A_219 = arith.constant 0 : i32
    %dma_wait3A_220 = arith.constant 0 : i32
    %dma_wait3A_221 = tpu.memref_slice %arg3[%dma_wait3A_219, %add3A_218, %dma_wait3A_220] : memref<4x8192x2048xf32, #tpu.memory_space<hbm>> -> memref<1x32x2048xf32, #tpu.memory_space<hbm>>
    %dma_wait3A_222 = tpu.memref_squeeze %dma_wait3A_221 : memref<1x32x2048xf32, #tpu.memory_space<hbm>> -> memref<32x2048xf32, #tpu.memory_space<hbm>>
    %dma_wait3A_223 = arith.constant 0 : i32
    %dma_wait3A_224 = tpu.memref_slice %arg3[%dma_wait3A_219, %add3A_218, %dma_wait3A_223] : memref<4x8192x2048xf32, #tpu.memory_space<hbm>> -> memref<1x32x2048xf32, #tpu.memory_space<hbm>>
    %dma_wait3A_225 = tpu.memref_squeeze %dma_wait3A_224 : memref<1x32x2048xf32, #tpu.memory_space<hbm>> -> memref<32x2048xf32, #tpu.memory_space<hbm>>
    tpu.wait_dma2 semaphore(%arg6 : memref<!tpu.dma_semaphore, #tpu.memory_space<semaphore_mem>>) src(%arg4 : memref<32x2048xf32, #tpu.memory_space<vmem>>) dst(%dma_wait3A_225 : memref<32x2048xf32, #tpu.memory_space<hbm>>)
    %add3A_226 = arith.constant 64 : i32
    %add3A_227 = arith.addi %mul3A_2, %add3A_226 : i32
    %dma_wait3A_228 = arith.constant 1 : i32
    %dma_wait3A_229 = arith.constant 0 : i32
    %dma_wait3A_230 = tpu.memref_slice %arg3[%dma_wait3A_228, %add3A_227, %dma_wait3A_229] : memref<4x8192x2048xf32, #tpu.memory_space<hbm>> -> memref<1x32x2048xf32, #tpu.memory_space<hbm>>
    %dma_wait3A_231 = tpu.memref_squeeze %dma_wait3A_230 : memref<1x32x2048xf32, #tpu.memory_space<hbm>> -> memref<32x2048xf32, #tpu.memory_space<hbm>>
    %dma_wait3A_232 = arith.constant 0 : i32
    %dma_wait3A_233 = tpu.memref_slice %arg3[%dma_wait3A_228, %add3A_227, %dma_wait3A_232] : memref<4x8192x2048xf32, #tpu.memory_space<hbm>> -> memref<1x32x2048xf32, #tpu.memory_space<hbm>>
    %dma_wait3A_234 = tpu.memref_squeeze %dma_wait3A_233 : memref<1x32x2048xf32, #tpu.memory_space<hbm>> -> memref<32x2048xf32, #tpu.memory_space<hbm>>
    tpu.wait_dma2 semaphore(%arg6 : memref<!tpu.dma_semaphore, #tpu.memory_space<semaphore_mem>>) src(%arg4 : memref<32x2048xf32, #tpu.memory_space<vmem>>) dst(%dma_wait3A_234 : memref<32x2048xf32, #tpu.memory_space<hbm>>)
    %add3A_235 = arith.constant 64 : i32
    %add3A_236 = arith.addi %mul3A_2, %add3A_235 : i32
    %dma_wait3A_237 = arith.constant 2 : i32
    %dma_wait3A_238 = arith.constant 0 : i32
    %dma_wait3A_239 = tpu.memref_slice %arg3[%dma_wait3A_237, %add3A_236, %dma_wait3A_238] : memref<4x8192x2048xf32, #tpu.memory_space<hbm>> -> memref<1x32x2048xf32, #tpu.memory_space<hbm>>
    %dma_wait3A_240 = tpu.memref_squeeze %dma_wait3A_239 : memref<1x32x2048xf32, #tpu.memory_space<hbm>> -> memref<32x2048xf32, #tpu.memory_space<hbm>>
    %dma_wait3A_241 = arith.constant 0 : i32
    %dma_wait3A_242 = tpu.memref_slice %arg3[%dma_wait3A_237, %add3A_236, %dma_wait3A_241] : memref<4x8192x2048xf32, #tpu.memory_space<hbm>> -> memref<1x32x2048xf32, #tpu.memory_space<hbm>>
    %dma_wait3A_243 = tpu.memref_squeeze %dma_wait3A_242 : memref<1x32x2048xf32, #tpu.memory_space<hbm>> -> memref<32x2048xf32, #tpu.memory_space<hbm>>
    tpu.wait_dma2 semaphore(%arg6 : memref<!tpu.dma_semaphore, #tpu.memory_space<semaphore_mem>>) src(%arg4 : memref<32x2048xf32, #tpu.memory_space<vmem>>) dst(%dma_wait3A_243 : memref<32x2048xf32, #tpu.memory_space<hbm>>)
    %add3A_244 = arith.constant 64 : i32
    %add3A_245 = arith.addi %mul3A_2, %add3A_244 : i32
    %dma_wait3A_246 = arith.constant 3 : i32
    %dma_wait3A_247 = arith.constant 0 : i32
    %dma_wait3A_248 = tpu.memref_slice %arg3[%dma_wait3A_246, %add3A_245, %dma_wait3A_247] : memref<4x8192x2048xf32, #tpu.memory_space<hbm>> -> memref<1x32x2048xf32, #tpu.memory_space<hbm>>
    %dma_wait3A_249 = tpu.memref_squeeze %dma_wait3A_248 : memref<1x32x2048xf32, #tpu.memory_space<hbm>> -> memref<32x2048xf32, #tpu.memory_space<hbm>>
    %dma_wait3A_250 = arith.constant 0 : i32
    %dma_wait3A_251 = tpu.memref_slice %arg3[%dma_wait3A_246, %add3A_245, %dma_wait3A_250] : memref<4x8192x2048xf32, #tpu.memory_space<hbm>> -> memref<1x32x2048xf32, #tpu.memory_space<hbm>>
    %dma_wait3A_252 = tpu.memref_squeeze %dma_wait3A_251 : memref<1x32x2048xf32, #tpu.memory_space<hbm>> -> memref<32x2048xf32, #tpu.memory_space<hbm>>
    tpu.wait_dma2 semaphore(%arg6 : memref<!tpu.dma_semaphore, #tpu.memory_space<semaphore_mem>>) src(%arg4 : memref<32x2048xf32, #tpu.memory_space<vmem>>) dst(%dma_wait3A_252 : memref<32x2048xf32, #tpu.memory_space<hbm>>)
    %add3A_253 = arith.constant 96 : i32
    %add3A_254 = arith.addi %mul3A_2, %add3A_253 : i32
    %dma_start3A_255 = arith.constant 0 : i32
    %dma_start3A_256 = tpu.memref_slice %arg2[%add3A_254, %dma_start3A_255] : memref<8192x2048xf32, #tpu.memory_space<hbm>> -> memref<32x2048xf32, #tpu.memory_space<hbm>>
    %dma_start3A_257 = arith.constant 0 : i32
    %dma_start3A_258 = tpu.memref_slice %arg2[%add3A_254, %dma_start3A_257] : memref<8192x2048xf32, #tpu.memory_space<hbm>> -> memref<32x2048xf32, #tpu.memory_space<hbm>>
    tpu.enqueue_dma source(%dma_start3A_258 : memref<32x2048xf32, #tpu.memory_space<hbm>>) target(%arg4 : memref<32x2048xf32, #tpu.memory_space<vmem>>) target_semaphore(%arg5 : memref<!tpu.dma_semaphore, #tpu.memory_space<semaphore_mem>>)
    %add3A_259 = arith.constant 96 : i32
    %add3A_260 = arith.addi %mul3A_2, %add3A_259 : i32
    %dma_wait3A_261 = arith.constant 0 : i32
    %dma_wait3A_262 = tpu.memref_slice %arg2[%add3A_260, %dma_wait3A_261] : memref<8192x2048xf32, #tpu.memory_space<hbm>> -> memref<32x2048xf32, #tpu.memory_space<hbm>>
    %dma_wait3A_263 = arith.constant 0 : i32
    %dma_wait3A_264 = tpu.memref_slice %arg2[%add3A_260, %dma_wait3A_263] : memref<8192x2048xf32, #tpu.memory_space<hbm>> -> memref<32x2048xf32, #tpu.memory_space<hbm>>
    tpu.wait_dma2 semaphore(%arg5 : memref<!tpu.dma_semaphore, #tpu.memory_space<semaphore_mem>>) src(%dma_wait3A_264 : memref<32x2048xf32, #tpu.memory_space<hbm>>) dst(%arg4 : memref<32x2048xf32, #tpu.memory_space<vmem>>)
    %add3A_265 = arith.constant 96 : i32
    %add3A_266 = arith.addi %mul3A_2, %add3A_265 : i32
    %dma_start3A_267 = arith.constant 0 : i32
    %dma_start3A_268 = arith.constant 0 : i32
    %dma_start3A_269 = tpu.memref_slice %arg3[%dma_start3A_267, %add3A_266, %dma_start3A_268] : memref<4x8192x2048xf32, #tpu.memory_space<hbm>> -> memref<1x32x2048xf32, #tpu.memory_space<hbm>>
    %dma_start3A_270 = tpu.memref_squeeze %dma_start3A_269 : memref<1x32x2048xf32, #tpu.memory_space<hbm>> -> memref<32x2048xf32, #tpu.memory_space<hbm>>
    %dma_start3A_271 = arith.constant 0 : i32
    %dma_start3A_272 = tpu.memref_slice %arg3[%dma_start3A_267, %add3A_266, %dma_start3A_271] : memref<4x8192x2048xf32, #tpu.memory_space<hbm>> -> memref<1x32x2048xf32, #tpu.memory_space<hbm>>
    %dma_start3A_273 = tpu.memref_squeeze %dma_start3A_272 : memref<1x32x2048xf32, #tpu.memory_space<hbm>> -> memref<32x2048xf32, #tpu.memory_space<hbm>>
    tpu.enqueue_dma source(%arg4 : memref<32x2048xf32, #tpu.memory_space<vmem>>) target(%dma_start3A_273 : memref<32x2048xf32, #tpu.memory_space<hbm>>) target_semaphore(%arg6 : memref<!tpu.dma_semaphore, #tpu.memory_space<semaphore_mem>>)
    %add3A_274 = arith.constant 96 : i32
    %add3A_275 = arith.addi %mul3A_2, %add3A_274 : i32
    %dma_start3A_276 = arith.constant 1 : i32
    %dma_start3A_277 = arith.constant 0 : i32
    %dma_start3A_278 = tpu.memref_slice %arg3[%dma_start3A_276, %add3A_275, %dma_start3A_277] : memref<4x8192x2048xf32, #tpu.memory_space<hbm>> -> memref<1x32x2048xf32, #tpu.memory_space<hbm>>
    %dma_start3A_279 = tpu.memref_squeeze %dma_start3A_278 : memref<1x32x2048xf32, #tpu.memory_space<hbm>> -> memref<32x2048xf32, #tpu.memory_space<hbm>>
    %dma_start3A_280 = arith.constant 0 : i32
    %dma_start3A_281 = tpu.memref_slice %arg3[%dma_start3A_276, %add3A_275, %dma_start3A_280] : memref<4x8192x2048xf32, #tpu.memory_space<hbm>> -> memref<1x32x2048xf32, #tpu.memory_space<hbm>>
    %dma_start3A_282 = tpu.memref_squeeze %dma_start3A_281 : memref<1x32x2048xf32, #tpu.memory_space<hbm>> -> memref<32x2048xf32, #tpu.memory_space<hbm>>
    tpu.enqueue_dma source(%arg4 : memref<32x2048xf32, #tpu.memory_space<vmem>>) target(%dma_start3A_282 : memref<32x2048xf32, #tpu.memory_space<hbm>>) target_semaphore(%arg6 : memref<!tpu.dma_semaphore, #tpu.memory_space<semaphore_mem>>)
    %add3A_283 = arith.constant 96 : i32
    %add3A_284 = arith.addi %mul3A_2, %add3A_283 : i32
    %dma_start3A_285 = arith.constant 2 : i32
    %dma_start3A_286 = arith.constant 0 : i32
    %dma_start3A_287 = tpu.memref_slice %arg3[%dma_start3A_285, %add3A_284, %dma_start3A_286] : memref<4x8192x2048xf32, #tpu.memory_space<hbm>> -> memref<1x32x2048xf32, #tpu.memory_space<hbm>>
    %dma_start3A_288 = tpu.memref_squeeze %dma_start3A_287 : memref<1x32x2048xf32, #tpu.memory_space<hbm>> -> memref<32x2048xf32, #tpu.memory_space<hbm>>
    %dma_start3A_289 = arith.constant 0 : i32
    %dma_start3A_290 = tpu.memref_slice %arg3[%dma_start3A_285, %add3A_284, %dma_start3A_289] : memref<4x8192x2048xf32, #tpu.memory_space<hbm>> -> memref<1x32x2048xf32, #tpu.memory_space<hbm>>
    %dma_start3A_291 = tpu.memref_squeeze %dma_start3A_290 : memref<1x32x2048xf32, #tpu.memory_space<hbm>> -> memref<32x2048xf32, #tpu.memory_space<hbm>>
    tpu.enqueue_dma source(%arg4 : memref<32x2048xf32, #tpu.memory_space<vmem>>) target(%dma_start3A_291 : memref<32x2048xf32, #tpu.memory_space<hbm>>) target_semaphore(%arg6 : memref<!tpu.dma_semaphore, #tpu.memory_space<semaphore_mem>>)
    %add3A_292 = arith.constant 96 : i32
    %add3A_293 = arith.addi %mul3A_2, %add3A_292 : i32
    %dma_start3A_294 = arith.constant 3 : i32
    %dma_start3A_295 = arith.constant 0 : i32
    %dma_start3A_296 = tpu.memref_slice %arg3[%dma_start3A_294, %add3A_293, %dma_start3A_295] : memref<4x8192x2048xf32, #tpu.memory_space<hbm>> -> memref<1x32x2048xf32, #tpu.memory_space<hbm>>
    %dma_start3A_297 = tpu.memref_squeeze %dma_start3A_296 : memref<1x32x2048xf32, #tpu.memory_space<hbm>> -> memref<32x2048xf32, #tpu.memory_space<hbm>>
    %dma_start3A_298 = arith.constant 0 : i32
    %dma_start3A_299 = tpu.memref_slice %arg3[%dma_start3A_294, %add3A_293, %dma_start3A_298] : memref<4x8192x2048xf32, #tpu.memory_space<hbm>> -> memref<1x32x2048xf32, #tpu.memory_space<hbm>>
    %dma_start3A_300 = tpu.memref_squeeze %dma_start3A_299 : memref<1x32x2048xf32, #tpu.memory_space<hbm>> -> memref<32x2048xf32, #tpu.memory_space<hbm>>
    tpu.enqueue_dma source(%arg4 : memref<32x2048xf32, #tpu.memory_space<vmem>>) target(%dma_start3A_300 : memref<32x2048xf32, #tpu.memory_space<hbm>>) target_semaphore(%arg6 : memref<!tpu.dma_semaphore, #tpu.memory_space<semaphore_mem>>)
    %add3A_301 = arith.constant 96 : i32
    %add3A_302 = arith.addi %mul3A_2, %add3A_301 : i32
    %dma_wait3A_303 = arith.constant 0 : i32
    %dma_wait3A_304 = arith.constant 0 : i32
    %dma_wait3A_305 = tpu.memref_slice %arg3[%dma_wait3A_303, %add3A_302, %dma_wait3A_304] : memref<4x8192x2048xf32, #tpu.memory_space<hbm>> -> memref<1x32x2048xf32, #tpu.memory_space<hbm>>
    %dma_wait3A_306 = tpu.memref_squeeze %dma_wait3A_305 : memref<1x32x2048xf32, #tpu.memory_space<hbm>> -> memref<32x2048xf32, #tpu.memory_space<hbm>>
    %dma_wait3A_307 = arith.constant 0 : i32
    %dma_wait3A_308 = tpu.memref_slice %arg3[%dma_wait3A_303, %add3A_302, %dma_wait3A_307] : memref<4x8192x2048xf32, #tpu.memory_space<hbm>> -> memref<1x32x2048xf32, #tpu.memory_space<hbm>>
    %dma_wait3A_309 = tpu.memref_squeeze %dma_wait3A_308 : memref<1x32x2048xf32, #tpu.memory_space<hbm>> -> memref<32x2048xf32, #tpu.memory_space<hbm>>
    tpu.wait_dma2 semaphore(%arg6 : memref<!tpu.dma_semaphore, #tpu.memory_space<semaphore_mem>>) src(%arg4 : memref<32x2048xf32, #tpu.memory_space<vmem>>) dst(%dma_wait3A_309 : memref<32x2048xf32, #tpu.memory_space<hbm>>)
    %add3A_310 = arith.constant 96 : i32
    %add3A_311 = arith.addi %mul3A_2, %add3A_310 : i32
    %dma_wait3A_312 = arith.constant 1 : i32
    %dma_wait3A_313 = arith.constant 0 : i32
    %dma_wait3A_314 = tpu.memref_slice %arg3[%dma_wait3A_312, %add3A_311, %dma_wait3A_313] : memref<4x8192x2048xf32, #tpu.memory_space<hbm>> -> memref<1x32x2048xf32, #tpu.memory_space<hbm>>
    %dma_wait3A_315 = tpu.memref_squeeze %dma_wait3A_314 : memref<1x32x2048xf32, #tpu.memory_space<hbm>> -> memref<32x2048xf32, #tpu.memory_space<hbm>>
    %dma_wait3A_316 = arith.constant 0 : i32
    %dma_wait3A_317 = tpu.memref_slice %arg3[%dma_wait3A_312, %add3A_311, %dma_wait3A_316] : memref<4x8192x2048xf32, #tpu.memory_space<hbm>> -> memref<1x32x2048xf32, #tpu.memory_space<hbm>>
    %dma_wait3A_318 = tpu.memref_squeeze %dma_wait3A_317 : memref<1x32x2048xf32, #tpu.memory_space<hbm>> -> memref<32x2048xf32, #tpu.memory_space<hbm>>
    tpu.wait_dma2 semaphore(%arg6 : memref<!tpu.dma_semaphore, #tpu.memory_space<semaphore_mem>>) src(%arg4 : memref<32x2048xf32, #tpu.memory_space<vmem>>) dst(%dma_wait3A_318 : memref<32x2048xf32, #tpu.memory_space<hbm>>)
    %add3A_319 = arith.constant 96 : i32
    %add3A_320 = arith.addi %mul3A_2, %add3A_319 : i32
    %dma_wait3A_321 = arith.constant 2 : i32
    %dma_wait3A_322 = arith.constant 0 : i32
    %dma_wait3A_323 = tpu.memref_slice %arg3[%dma_wait3A_321, %add3A_320, %dma_wait3A_322] : memref<4x8192x2048xf32, #tpu.memory_space<hbm>> -> memref<1x32x2048xf32, #tpu.memory_space<hbm>>
    %dma_wait3A_324 = tpu.memref_squeeze %dma_wait3A_323 : memref<1x32x2048xf32, #tpu.memory_space<hbm>> -> memref<32x2048xf32, #tpu.memory_space<hbm>>
    %dma_wait3A_325 = arith.constant 0 : i32
    %dma_wait3A_326 = tpu.memref_slice %arg3[%dma_wait3A_321, %add3A_320, %dma_wait3A_325] : memref<4x8192x2048xf32, #tpu.memory_space<hbm>> -> memref<1x32x2048xf32, #tpu.memory_space<hbm>>
    %dma_wait3A_327 = tpu.memref_squeeze %dma_wait3A_326 : memref<1x32x2048xf32, #tpu.memory_space<hbm>> -> memref<32x2048xf32, #tpu.memory_space<hbm>>
    tpu.wait_dma2 semaphore(%arg6 : memref<!tpu.dma_semaphore, #tpu.memory_space<semaphore_mem>>) src(%arg4 : memref<32x2048xf32, #tpu.memory_space<vmem>>) dst(%dma_wait3A_327 : memref<32x2048xf32, #tpu.memory_space<hbm>>)
    %add3A_328 = arith.constant 96 : i32
    %add3A_329 = arith.addi %mul3A_2, %add3A_328 : i32
    %dma_wait3A_330 = arith.constant 3 : i32
    %dma_wait3A_331 = arith.constant 0 : i32
    %dma_wait3A_332 = tpu.memref_slice %arg3[%dma_wait3A_330, %add3A_329, %dma_wait3A_331] : memref<4x8192x2048xf32, #tpu.memory_space<hbm>> -> memref<1x32x2048xf32, #tpu.memory_space<hbm>>
    %dma_wait3A_333 = tpu.memref_squeeze %dma_wait3A_332 : memref<1x32x2048xf32, #tpu.memory_space<hbm>> -> memref<32x2048xf32, #tpu.memory_space<hbm>>
    %dma_wait3A_334 = arith.constant 0 : i32
    %dma_wait3A_335 = tpu.memref_slice %arg3[%dma_wait3A_330, %add3A_329, %dma_wait3A_334] : memref<4x8192x2048xf32, #tpu.memory_space<hbm>> -> memref<1x32x2048xf32, #tpu.memory_space<hbm>>
    %dma_wait3A_336 = tpu.memref_squeeze %dma_wait3A_335 : memref<1x32x2048xf32, #tpu.memory_space<hbm>> -> memref<32x2048xf32, #tpu.memory_space<hbm>>
    tpu.wait_dma2 semaphore(%arg6 : memref<!tpu.dma_semaphore, #tpu.memory_space<semaphore_mem>>) src(%arg4 : memref<32x2048xf32, #tpu.memory_space<vmem>>) dst(%dma_wait3A_336 : memref<32x2048xf32, #tpu.memory_space<hbm>>)
    %add3A_337 = arith.constant 128 : i32
    %add3A_338 = arith.addi %mul3A_2, %add3A_337 : i32
    %dma_start3A_339 = arith.constant 0 : i32
    %dma_start3A_340 = tpu.memref_slice %arg2[%add3A_338, %dma_start3A_339] : memref<8192x2048xf32, #tpu.memory_space<hbm>> -> memref<32x2048xf32, #tpu.memory_space<hbm>>
    %dma_start3A_341 = arith.constant 0 : i32
    %dma_start3A_342 = tpu.memref_slice %arg2[%add3A_338, %dma_start3A_341] : memref<8192x2048xf32, #tpu.memory_space<hbm>> -> memref<32x2048xf32, #tpu.memory_space<hbm>>
    tpu.enqueue_dma source(%dma_start3A_342 : memref<32x2048xf32, #tpu.memory_space<hbm>>) target(%arg4 : memref<32x2048xf32, #tpu.memory_space<vmem>>) target_semaphore(%arg5 : memref<!tpu.dma_semaphore, #tpu.memory_space<semaphore_mem>>)
    %add3A_343 = arith.constant 128 : i32
    %add3A_344 = arith.addi %mul3A_2, %add3A_343 : i32
    %dma_wait3A_345 = arith.constant 0 : i32
    %dma_wait3A_346 = tpu.memref_slice %arg2[%add3A_344, %dma_wait3A_345] : memref<8192x2048xf32, #tpu.memory_space<hbm>> -> memref<32x2048xf32, #tpu.memory_space<hbm>>
    %dma_wait3A_347 = arith.constant 0 : i32
    %dma_wait3A_348 = tpu.memref_slice %arg2[%add3A_344, %dma_wait3A_347] : memref<8192x2048xf32, #tpu.memory_space<hbm>> -> memref<32x2048xf32, #tpu.memory_space<hbm>>
    tpu.wait_dma2 semaphore(%arg5 : memref<!tpu.dma_semaphore, #tpu.memory_space<semaphore_mem>>) src(%dma_wait3A_348 : memref<32x2048xf32, #tpu.memory_space<hbm>>) dst(%arg4 : memref<32x2048xf32, #tpu.memory_space<vmem>>)
    %add3A_349 = arith.constant 128 : i32
    %add3A_350 = arith.addi %mul3A_2, %add3A_349 : i32
    %dma_start3A_351 = arith.constant 0 : i32
    %dma_start3A_352 = arith.constant 0 : i32
    %dma_start3A_353 = tpu.memref_slice %arg3[%dma_start3A_351, %add3A_350, %dma_start3A_352] : memref<4x8192x2048xf32, #tpu.memory_space<hbm>> -> memref<1x32x2048xf32, #tpu.memory_space<hbm>>
    %dma_start3A_354 = tpu.memref_squeeze %dma_start3A_353 : memref<1x32x2048xf32, #tpu.memory_space<hbm>> -> memref<32x2048xf32, #tpu.memory_space<hbm>>
    %dma_start3A_355 = arith.constant 0 : i32
    %dma_start3A_356 = tpu.memref_slice %arg3[%dma_start3A_351, %add3A_350, %dma_start3A_355] : memref<4x8192x2048xf32, #tpu.memory_space<hbm>> -> memref<1x32x2048xf32, #tpu.memory_space<hbm>>
    %dma_start3A_357 = tpu.memref_squeeze %dma_start3A_356 : memref<1x32x2048xf32, #tpu.memory_space<hbm>> -> memref<32x2048xf32, #tpu.memory_space<hbm>>
    tpu.enqueue_dma source(%arg4 : memref<32x2048xf32, #tpu.memory_space<vmem>>) target(%dma_start3A_357 : memref<32x2048xf32, #tpu.memory_space<hbm>>) target_semaphore(%arg6 : memref<!tpu.dma_semaphore, #tpu.memory_space<semaphore_mem>>)
    %add3A_358 = arith.constant 128 : i32
    %add3A_359 = arith.addi %mul3A_2, %add3A_358 : i32
    %dma_start3A_360 = arith.constant 1 : i32
    %dma_start3A_361 = arith.constant 0 : i32
    %dma_start3A_362 = tpu.memref_slice %arg3[%dma_start3A_360, %add3A_359, %dma_start3A_361] : memref<4x8192x2048xf32, #tpu.memory_space<hbm>> -> memref<1x32x2048xf32, #tpu.memory_space<hbm>>
    %dma_start3A_363 = tpu.memref_squeeze %dma_start3A_362 : memref<1x32x2048xf32, #tpu.memory_space<hbm>> -> memref<32x2048xf32, #tpu.memory_space<hbm>>
    %dma_start3A_364 = arith.constant 0 : i32
    %dma_start3A_365 = tpu.memref_slice %arg3[%dma_start3A_360, %add3A_359, %dma_start3A_364] : memref<4x8192x2048xf32, #tpu.memory_space<hbm>> -> memref<1x32x2048xf32, #tpu.memory_space<hbm>>
    %dma_start3A_366 = tpu.memref_squeeze %dma_start3A_365 : memref<1x32x2048xf32, #tpu.memory_space<hbm>> -> memref<32x2048xf32, #tpu.memory_space<hbm>>
    tpu.enqueue_dma source(%arg4 : memref<32x2048xf32, #tpu.memory_space<vmem>>) target(%dma_start3A_366 : memref<32x2048xf32, #tpu.memory_space<hbm>>) target_semaphore(%arg6 : memref<!tpu.dma_semaphore, #tpu.memory_space<semaphore_mem>>)
    %add3A_367 = arith.constant 128 : i32
    %add3A_368 = arith.addi %mul3A_2, %add3A_367 : i32
    %dma_start3A_369 = arith.constant 2 : i32
    %dma_start3A_370 = arith.constant 0 : i32
    %dma_start3A_371 = tpu.memref_slice %arg3[%dma_start3A_369, %add3A_368, %dma_start3A_370] : memref<4x8192x2048xf32, #tpu.memory_space<hbm>> -> memref<1x32x2048xf32, #tpu.memory_space<hbm>>
    %dma_start3A_372 = tpu.memref_squeeze %dma_start3A_371 : memref<1x32x2048xf32, #tpu.memory_space<hbm>> -> memref<32x2048xf32, #tpu.memory_space<hbm>>
    %dma_start3A_373 = arith.constant 0 : i32
    %dma_start3A_374 = tpu.memref_slice %arg3[%dma_start3A_369, %add3A_368, %dma_start3A_373] : memref<4x8192x2048xf32, #tpu.memory_space<hbm>> -> memref<1x32x2048xf32, #tpu.memory_space<hbm>>
    %dma_start3A_375 = tpu.memref_squeeze %dma_start3A_374 : memref<1x32x2048xf32, #tpu.memory_space<hbm>> -> memref<32x2048xf32, #tpu.memory_space<hbm>>
    tpu.enqueue_dma source(%arg4 : memref<32x2048xf32, #tpu.memory_space<vmem>>) target(%dma_start3A_375 : memref<32x2048xf32, #tpu.memory_space<hbm>>) target_semaphore(%arg6 : memref<!tpu.dma_semaphore, #tpu.memory_space<semaphore_mem>>)
    %add3A_376 = arith.constant 128 : i32
    %add3A_377 = arith.addi %mul3A_2, %add3A_376 : i32
    %dma_start3A_378 = arith.constant 3 : i32
    %dma_start3A_379 = arith.constant 0 : i32
    %dma_start3A_380 = tpu.memref_slice %arg3[%dma_start3A_378, %add3A_377, %dma_start3A_379] : memref<4x8192x2048xf32, #tpu.memory_space<hbm>> -> memref<1x32x2048xf32, #tpu.memory_space<hbm>>
    %dma_start3A_381 = tpu.memref_squeeze %dma_start3A_380 : memref<1x32x2048xf32, #tpu.memory_space<hbm>> -> memref<32x2048xf32, #tpu.memory_space<hbm>>
    %dma_start3A_382 = arith.constant 0 : i32
    %dma_start3A_383 = tpu.memref_slice %arg3[%dma_start3A_378, %add3A_377, %dma_start3A_382] : memref<4x8192x2048xf32, #tpu.memory_space<hbm>> -> memref<1x32x2048xf32, #tpu.memory_space<hbm>>
    %dma_start3A_384 = tpu.memref_squeeze %dma_start3A_383 : memref<1x32x2048xf32, #tpu.memory_space<hbm>> -> memref<32x2048xf32, #tpu.memory_space<hbm>>
    tpu.enqueue_dma source(%arg4 : memref<32x2048xf32, #tpu.memory_space<vmem>>) target(%dma_start3A_384 : memref<32x2048xf32, #tpu.memory_space<hbm>>) target_semaphore(%arg6 : memref<!tpu.dma_semaphore, #tpu.memory_space<semaphore_mem>>)
    %add3A_385 = arith.constant 128 : i32
    %add3A_386 = arith.addi %mul3A_2, %add3A_385 : i32
    %dma_wait3A_387 = arith.constant 0 : i32
    %dma_wait3A_388 = arith.constant 0 : i32
    %dma_wait3A_389 = tpu.memref_slice %arg3[%dma_wait3A_387, %add3A_386, %dma_wait3A_388] : memref<4x8192x2048xf32, #tpu.memory_space<hbm>> -> memref<1x32x2048xf32, #tpu.memory_space<hbm>>
    %dma_wait3A_390 = tpu.memref_squeeze %dma_wait3A_389 : memref<1x32x2048xf32, #tpu.memory_space<hbm>> -> memref<32x2048xf32, #tpu.memory_space<hbm>>
    %dma_wait3A_391 = arith.constant 0 : i32
    %dma_wait3A_392 = tpu.memref_slice %arg3[%dma_wait3A_387, %add3A_386, %dma_wait3A_391] : memref<4x8192x2048xf32, #tpu.memory_space<hbm>> -> memref<1x32x2048xf32, #tpu.memory_space<hbm>>
    %dma_wait3A_393 = tpu.memref_squeeze %dma_wait3A_392 : memref<1x32x2048xf32, #tpu.memory_space<hbm>> -> memref<32x2048xf32, #tpu.memory_space<hbm>>
    tpu.wait_dma2 semaphore(%arg6 : memref<!tpu.dma_semaphore, #tpu.memory_space<semaphore_mem>>) src(%arg4 : memref<32x2048xf32, #tpu.memory_space<vmem>>) dst(%dma_wait3A_393 : memref<32x2048xf32, #tpu.memory_space<hbm>>)
    %add3A_394 = arith.constant 128 : i32
    %add3A_395 = arith.addi %mul3A_2, %add3A_394 : i32
    %dma_wait3A_396 = arith.constant 1 : i32
    %dma_wait3A_397 = arith.constant 0 : i32
    %dma_wait3A_398 = tpu.memref_slice %arg3[%dma_wait3A_396, %add3A_395, %dma_wait3A_397] : memref<4x8192x2048xf32, #tpu.memory_space<hbm>> -> memref<1x32x2048xf32, #tpu.memory_space<hbm>>
    %dma_wait3A_399 = tpu.memref_squeeze %dma_wait3A_398 : memref<1x32x2048xf32, #tpu.memory_space<hbm>> -> memref<32x2048xf32, #tpu.memory_space<hbm>>
    %dma_wait3A_400 = arith.constant 0 : i32
    %dma_wait3A_401 = tpu.memref_slice %arg3[%dma_wait3A_396, %add3A_395, %dma_wait3A_400] : memref<4x8192x2048xf32, #tpu.memory_space<hbm>> -> memref<1x32x2048xf32, #tpu.memory_space<hbm>>
    %dma_wait3A_402 = tpu.memref_squeeze %dma_wait3A_401 : memref<1x32x2048xf32, #tpu.memory_space<hbm>> -> memref<32x2048xf32, #tpu.memory_space<hbm>>
    tpu.wait_dma2 semaphore(%arg6 : memref<!tpu.dma_semaphore, #tpu.memory_space<semaphore_mem>>) src(%arg4 : memref<32x2048xf32, #tpu.memory_space<vmem>>) dst(%dma_wait3A_402 : memref<32x2048xf32, #tpu.memory_space<hbm>>)
    %add3A_403 = arith.constant 128 : i32
    %add3A_404 = arith.addi %mul3A_2, %add3A_403 : i32
    %dma_wait3A_405 = arith.constant 2 : i32
    %dma_wait3A_406 = arith.constant 0 : i32
    %dma_wait3A_407 = tpu.memref_slice %arg3[%dma_wait3A_405, %add3A_404, %dma_wait3A_406] : memref<4x8192x2048xf32, #tpu.memory_space<hbm>> -> memref<1x32x2048xf32, #tpu.memory_space<hbm>>
    %dma_wait3A_408 = tpu.memref_squeeze %dma_wait3A_407 : memref<1x32x2048xf32, #tpu.memory_space<hbm>> -> memref<32x2048xf32, #tpu.memory_space<hbm>>
    %dma_wait3A_409 = arith.constant 0 : i32
    %dma_wait3A_410 = tpu.memref_slice %arg3[%dma_wait3A_405, %add3A_404, %dma_wait3A_409] : memref<4x8192x2048xf32, #tpu.memory_space<hbm>> -> memref<1x32x2048xf32, #tpu.memory_space<hbm>>
    %dma_wait3A_411 = tpu.memref_squeeze %dma_wait3A_410 : memref<1x32x2048xf32, #tpu.memory_space<hbm>> -> memref<32x2048xf32, #tpu.memory_space<hbm>>
    tpu.wait_dma2 semaphore(%arg6 : memref<!tpu.dma_semaphore, #tpu.memory_space<semaphore_mem>>) src(%arg4 : memref<32x2048xf32, #tpu.memory_space<vmem>>) dst(%dma_wait3A_411 : memref<32x2048xf32, #tpu.memory_space<hbm>>)
    %add3A_412 = arith.constant 128 : i32
    %add3A_413 = arith.addi %mul3A_2, %add3A_412 : i32
    %dma_wait3A_414 = arith.constant 3 : i32
    %dma_wait3A_415 = arith.constant 0 : i32
    %dma_wait3A_416 = tpu.memref_slice %arg3[%dma_wait3A_414, %add3A_413, %dma_wait3A_415] : memref<4x8192x2048xf32, #tpu.memory_space<hbm>> -> memref<1x32x2048xf32, #tpu.memory_space<hbm>>
    %dma_wait3A_417 = tpu.memref_squeeze %dma_wait3A_416 : memref<1x32x2048xf32, #tpu.memory_space<hbm>> -> memref<32x2048xf32, #tpu.memory_space<hbm>>
    %dma_wait3A_418 = arith.constant 0 : i32
    %dma_wait3A_419 = tpu.memref_slice %arg3[%dma_wait3A_414, %add3A_413, %dma_wait3A_418] : memref<4x8192x2048xf32, #tpu.memory_space<hbm>> -> memref<1x32x2048xf32, #tpu.memory_space<hbm>>
    %dma_wait3A_420 = tpu.memref_squeeze %dma_wait3A_419 : memref<1x32x2048xf32, #tpu.memory_space<hbm>> -> memref<32x2048xf32, #tpu.memory_space<hbm>>
    tpu.wait_dma2 semaphore(%arg6 : memref<!tpu.dma_semaphore, #tpu.memory_space<semaphore_mem>>) src(%arg4 : memref<32x2048xf32, #tpu.memory_space<vmem>>) dst(%dma_wait3A_420 : memref<32x2048xf32, #tpu.memory_space<hbm>>)
    %add3A_421 = arith.constant 160 : i32
    %add3A_422 = arith.addi %mul3A_2, %add3A_421 : i32
    %dma_start3A_423 = arith.constant 0 : i32
    %dma_start3A_424 = tpu.memref_slice %arg2[%add3A_422, %dma_start3A_423] : memref<8192x2048xf32, #tpu.memory_space<hbm>> -> memref<32x2048xf32, #tpu.memory_space<hbm>>
    %dma_start3A_425 = arith.constant 0 : i32
    %dma_start3A_426 = tpu.memref_slice %arg2[%add3A_422, %dma_start3A_425] : memref<8192x2048xf32, #tpu.memory_space<hbm>> -> memref<32x2048xf32, #tpu.memory_space<hbm>>
    tpu.enqueue_dma source(%dma_start3A_426 : memref<32x2048xf32, #tpu.memory_space<hbm>>) target(%arg4 : memref<32x2048xf32, #tpu.memory_space<vmem>>) target_semaphore(%arg5 : memref<!tpu.dma_semaphore, #tpu.memory_space<semaphore_mem>>)
    %add3A_427 = arith.constant 160 : i32
    %add3A_428 = arith.addi %mul3A_2, %add3A_427 : i32
    %dma_wait3A_429 = arith.constant 0 : i32
    %dma_wait3A_430 = tpu.memref_slice %arg2[%add3A_428, %dma_wait3A_429] : memref<8192x2048xf32, #tpu.memory_space<hbm>> -> memref<32x2048xf32, #tpu.memory_space<hbm>>
    %dma_wait3A_431 = arith.constant 0 : i32
    %dma_wait3A_432 = tpu.memref_slice %arg2[%add3A_428, %dma_wait3A_431] : memref<8192x2048xf32, #tpu.memory_space<hbm>> -> memref<32x2048xf32, #tpu.memory_space<hbm>>
    tpu.wait_dma2 semaphore(%arg5 : memref<!tpu.dma_semaphore, #tpu.memory_space<semaphore_mem>>) src(%dma_wait3A_432 : memref<32x2048xf32, #tpu.memory_space<hbm>>) dst(%arg4 : memref<32x2048xf32, #tpu.memory_space<vmem>>)
    %add3A_433 = arith.constant 160 : i32
    %add3A_434 = arith.addi %mul3A_2, %add3A_433 : i32
    %dma_start3A_435 = arith.constant 0 : i32
    %dma_start3A_436 = arith.constant 0 : i32
    %dma_start3A_437 = tpu.memref_slice %arg3[%dma_start3A_435, %add3A_434, %dma_start3A_436] : memref<4x8192x2048xf32, #tpu.memory_space<hbm>> -> memref<1x32x2048xf32, #tpu.memory_space<hbm>>
    %dma_start3A_438 = tpu.memref_squeeze %dma_start3A_437 : memref<1x32x2048xf32, #tpu.memory_space<hbm>> -> memref<32x2048xf32, #tpu.memory_space<hbm>>
    %dma_start3A_439 = arith.constant 0 : i32
    %dma_start3A_440 = tpu.memref_slice %arg3[%dma_start3A_435, %add3A_434, %dma_start3A_439] : memref<4x8192x2048xf32, #tpu.memory_space<hbm>> -> memref<1x32x2048xf32, #tpu.memory_space<hbm>>
    %dma_start3A_441 = tpu.memref_squeeze %dma_start3A_440 : memref<1x32x2048xf32, #tpu.memory_space<hbm>> -> memref<32x2048xf32, #tpu.memory_space<hbm>>
    tpu.enqueue_dma source(%arg4 : memref<32x2048xf32, #tpu.memory_space<vmem>>) target(%dma_start3A_441 : memref<32x2048xf32, #tpu.memory_space<hbm>>) target_semaphore(%arg6 : memref<!tpu.dma_semaphore, #tpu.memory_space<semaphore_mem>>)
    %add3A_442 = arith.constant 160 : i32
    %add3A_443 = arith.addi %mul3A_2, %add3A_442 : i32
    %dma_start3A_444 = arith.constant 1 : i32
    %dma_start3A_445 = arith.constant 0 : i32
    %dma_start3A_446 = tpu.memref_slice %arg3[%dma_start3A_444, %add3A_443, %dma_start3A_445] : memref<4x8192x2048xf32, #tpu.memory_space<hbm>> -> memref<1x32x2048xf32, #tpu.memory_space<hbm>>
    %dma_start3A_447 = tpu.memref_squeeze %dma_start3A_446 : memref<1x32x2048xf32, #tpu.memory_space<hbm>> -> memref<32x2048xf32, #tpu.memory_space<hbm>>
    %dma_start3A_448 = arith.constant 0 : i32
    %dma_start3A_449 = tpu.memref_slice %arg3[%dma_start3A_444, %add3A_443, %dma_start3A_448] : memref<4x8192x2048xf32, #tpu.memory_space<hbm>> -> memref<1x32x2048xf32, #tpu.memory_space<hbm>>
    %dma_start3A_450 = tpu.memref_squeeze %dma_start3A_449 : memref<1x32x2048xf32, #tpu.memory_space<hbm>> -> memref<32x2048xf32, #tpu.memory_space<hbm>>
    tpu.enqueue_dma source(%arg4 : memref<32x2048xf32, #tpu.memory_space<vmem>>) target(%dma_start3A_450 : memref<32x2048xf32, #tpu.memory_space<hbm>>) target_semaphore(%arg6 : memref<!tpu.dma_semaphore, #tpu.memory_space<semaphore_mem>>)
    %add3A_451 = arith.constant 160 : i32
    %add3A_452 = arith.addi %mul3A_2, %add3A_451 : i32
    %dma_start3A_453 = arith.constant 2 : i32
    %dma_start3A_454 = arith.constant 0 : i32
    %dma_start3A_455 = tpu.memref_slice %arg3[%dma_start3A_453, %add3A_452, %dma_start3A_454] : memref<4x8192x2048xf32, #tpu.memory_space<hbm>> -> memref<1x32x2048xf32, #tpu.memory_space<hbm>>
    %dma_start3A_456 = tpu.memref_squeeze %dma_start3A_455 : memref<1x32x2048xf32, #tpu.memory_space<hbm>> -> memref<32x2048xf32, #tpu.memory_space<hbm>>
    %dma_start3A_457 = arith.constant 0 : i32
    %dma_start3A_458 = tpu.memref_slice %arg3[%dma_start3A_453, %add3A_452, %dma_start3A_457] : memref<4x8192x2048xf32, #tpu.memory_space<hbm>> -> memref<1x32x2048xf32, #tpu.memory_space<hbm>>
    %dma_start3A_459 = tpu.memref_squeeze %dma_start3A_458 : memref<1x32x2048xf32, #tpu.memory_space<hbm>> -> memref<32x2048xf32, #tpu.memory_space<hbm>>
    tpu.enqueue_dma source(%arg4 : memref<32x2048xf32, #tpu.memory_space<vmem>>) target(%dma_start3A_459 : memref<32x2048xf32, #tpu.memory_space<hbm>>) target_semaphore(%arg6 : memref<!tpu.dma_semaphore, #tpu.memory_space<semaphore_mem>>)
    %add3A_460 = arith.constant 160 : i32
    %add3A_461 = arith.addi %mul3A_2, %add3A_460 : i32
    %dma_start3A_462 = arith.constant 3 : i32
    %dma_start3A_463 = arith.constant 0 : i32
    %dma_start3A_464 = tpu.memref_slice %arg3[%dma_start3A_462, %add3A_461, %dma_start3A_463] : memref<4x8192x2048xf32, #tpu.memory_space<hbm>> -> memref<1x32x2048xf32, #tpu.memory_space<hbm>>
    %dma_start3A_465 = tpu.memref_squeeze %dma_start3A_464 : memref<1x32x2048xf32, #tpu.memory_space<hbm>> -> memref<32x2048xf32, #tpu.memory_space<hbm>>
    %dma_start3A_466 = arith.constant 0 : i32
    %dma_start3A_467 = tpu.memref_slice %arg3[%dma_start3A_462, %add3A_461, %dma_start3A_466] : memref<4x8192x2048xf32, #tpu.memory_space<hbm>> -> memref<1x32x2048xf32, #tpu.memory_space<hbm>>
    %dma_start3A_468 = tpu.memref_squeeze %dma_start3A_467 : memref<1x32x2048xf32, #tpu.memory_space<hbm>> -> memref<32x2048xf32, #tpu.memory_space<hbm>>
    tpu.enqueue_dma source(%arg4 : memref<32x2048xf32, #tpu.memory_space<vmem>>) target(%dma_start3A_468 : memref<32x2048xf32, #tpu.memory_space<hbm>>) target_semaphore(%arg6 : memref<!tpu.dma_semaphore, #tpu.memory_space<semaphore_mem>>)
    %add3A_469 = arith.constant 160 : i32
    %add3A_470 = arith.addi %mul3A_2, %add3A_469 : i32
    %dma_wait3A_471 = arith.constant 0 : i32
    %dma_wait3A_472 = arith.constant 0 : i32
    %dma_wait3A_473 = tpu.memref_slice %arg3[%dma_wait3A_471, %add3A_470, %dma_wait3A_472] : memref<4x8192x2048xf32, #tpu.memory_space<hbm>> -> memref<1x32x2048xf32, #tpu.memory_space<hbm>>
    %dma_wait3A_474 = tpu.memref_squeeze %dma_wait3A_473 : memref<1x32x2048xf32, #tpu.memory_space<hbm>> -> memref<32x2048xf32, #tpu.memory_space<hbm>>
    %dma_wait3A_475 = arith.constant 0 : i32
    %dma_wait3A_476 = tpu.memref_slice %arg3[%dma_wait3A_471, %add3A_470, %dma_wait3A_475] : memref<4x8192x2048xf32, #tpu.memory_space<hbm>> -> memref<1x32x2048xf32, #tpu.memory_space<hbm>>
    %dma_wait3A_477 = tpu.memref_squeeze %dma_wait3A_476 : memref<1x32x2048xf32, #tpu.memory_space<hbm>> -> memref<32x2048xf32, #tpu.memory_space<hbm>>
    tpu.wait_dma2 semaphore(%arg6 : memref<!tpu.dma_semaphore, #tpu.memory_space<semaphore_mem>>) src(%arg4 : memref<32x2048xf32, #tpu.memory_space<vmem>>) dst(%dma_wait3A_477 : memref<32x2048xf32, #tpu.memory_space<hbm>>)
    %add3A_478 = arith.constant 160 : i32
    %add3A_479 = arith.addi %mul3A_2, %add3A_478 : i32
    %dma_wait3A_480 = arith.constant 1 : i32
    %dma_wait3A_481 = arith.constant 0 : i32
    %dma_wait3A_482 = tpu.memref_slice %arg3[%dma_wait3A_480, %add3A_479, %dma_wait3A_481] : memref<4x8192x2048xf32, #tpu.memory_space<hbm>> -> memref<1x32x2048xf32, #tpu.memory_space<hbm>>
    %dma_wait3A_483 = tpu.memref_squeeze %dma_wait3A_482 : memref<1x32x2048xf32, #tpu.memory_space<hbm>> -> memref<32x2048xf32, #tpu.memory_space<hbm>>
    %dma_wait3A_484 = arith.constant 0 : i32
    %dma_wait3A_485 = tpu.memref_slice %arg3[%dma_wait3A_480, %add3A_479, %dma_wait3A_484] : memref<4x8192x2048xf32, #tpu.memory_space<hbm>> -> memref<1x32x2048xf32, #tpu.memory_space<hbm>>
    %dma_wait3A_486 = tpu.memref_squeeze %dma_wait3A_485 : memref<1x32x2048xf32, #tpu.memory_space<hbm>> -> memref<32x2048xf32, #tpu.memory_space<hbm>>
    tpu.wait_dma2 semaphore(%arg6 : memref<!tpu.dma_semaphore, #tpu.memory_space<semaphore_mem>>) src(%arg4 : memref<32x2048xf32, #tpu.memory_space<vmem>>) dst(%dma_wait3A_486 : memref<32x2048xf32, #tpu.memory_space<hbm>>)
    %add3A_487 = arith.constant 160 : i32
    %add3A_488 = arith.addi %mul3A_2, %add3A_487 : i32
    %dma_wait3A_489 = arith.constant 2 : i32
    %dma_wait3A_490 = arith.constant 0 : i32
    %dma_wait3A_491 = tpu.memref_slice %arg3[%dma_wait3A_489, %add3A_488, %dma_wait3A_490] : memref<4x8192x2048xf32, #tpu.memory_space<hbm>> -> memref<1x32x2048xf32, #tpu.memory_space<hbm>>
    %dma_wait3A_492 = tpu.memref_squeeze %dma_wait3A_491 : memref<1x32x2048xf32, #tpu.memory_space<hbm>> -> memref<32x2048xf32, #tpu.memory_space<hbm>>
    %dma_wait3A_493 = arith.constant 0 : i32
    %dma_wait3A_494 = tpu.memref_slice %arg3[%dma_wait3A_489, %add3A_488, %dma_wait3A_493] : memref<4x8192x2048xf32, #tpu.memory_space<hbm>> -> memref<1x32x2048xf32, #tpu.memory_space<hbm>>
    %dma_wait3A_495 = tpu.memref_squeeze %dma_wait3A_494 : memref<1x32x2048xf32, #tpu.memory_space<hbm>> -> memref<32x2048xf32, #tpu.memory_space<hbm>>
    tpu.wait_dma2 semaphore(%arg6 : memref<!tpu.dma_semaphore, #tpu.memory_space<semaphore_mem>>) src(%arg4 : memref<32x2048xf32, #tpu.memory_space<vmem>>) dst(%dma_wait3A_495 : memref<32x2048xf32, #tpu.memory_space<hbm>>)
    %add3A_496 = arith.constant 160 : i32
    %add3A_497 = arith.addi %mul3A_2, %add3A_496 : i32
    %dma_wait3A_498 = arith.constant 3 : i32
    %dma_wait3A_499 = arith.constant 0 : i32
    %dma_wait3A_500 = tpu.memref_slice %arg3[%dma_wait3A_498, %add3A_497, %dma_wait3A_499] : memref<4x8192x2048xf32, #tpu.memory_space<hbm>> -> memref<1x32x2048xf32, #tpu.memory_space<hbm>>
    %dma_wait3A_501 = tpu.memref_squeeze %dma_wait3A_500 : memref<1x32x2048xf32, #tpu.memory_space<hbm>> -> memref<32x2048xf32, #tpu.memory_space<hbm>>
    %dma_wait3A_502 = arith.constant 0 : i32
    %dma_wait3A_503 = tpu.memref_slice %arg3[%dma_wait3A_498, %add3A_497, %dma_wait3A_502] : memref<4x8192x2048xf32, #tpu.memory_space<hbm>> -> memref<1x32x2048xf32, #tpu.memory_space<hbm>>
    %dma_wait3A_504 = tpu.memref_squeeze %dma_wait3A_503 : memref<1x32x2048xf32, #tpu.memory_space<hbm>> -> memref<32x2048xf32, #tpu.memory_space<hbm>>
    tpu.wait_dma2 semaphore(%arg6 : memref<!tpu.dma_semaphore, #tpu.memory_space<semaphore_mem>>) src(%arg4 : memref<32x2048xf32, #tpu.memory_space<vmem>>) dst(%dma_wait3A_504 : memref<32x2048xf32, #tpu.memory_space<hbm>>)
    %add3A_505 = arith.constant 192 : i32
    %add3A_506 = arith.addi %mul3A_2, %add3A_505 : i32
    %dma_start3A_507 = arith.constant 0 : i32
    %dma_start3A_508 = tpu.memref_slice %arg2[%add3A_506, %dma_start3A_507] : memref<8192x2048xf32, #tpu.memory_space<hbm>> -> memref<32x2048xf32, #tpu.memory_space<hbm>>
    %dma_start3A_509 = arith.constant 0 : i32
    %dma_start3A_510 = tpu.memref_slice %arg2[%add3A_506, %dma_start3A_509] : memref<8192x2048xf32, #tpu.memory_space<hbm>> -> memref<32x2048xf32, #tpu.memory_space<hbm>>
    tpu.enqueue_dma source(%dma_start3A_510 : memref<32x2048xf32, #tpu.memory_space<hbm>>) target(%arg4 : memref<32x2048xf32, #tpu.memory_space<vmem>>) target_semaphore(%arg5 : memref<!tpu.dma_semaphore, #tpu.memory_space<semaphore_mem>>)
    %add3A_511 = arith.constant 192 : i32
    %add3A_512 = arith.addi %mul3A_2, %add3A_511 : i32
    %dma_wait3A_513 = arith.constant 0 : i32
    %dma_wait3A_514 = tpu.memref_slice %arg2[%add3A_512, %dma_wait3A_513] : memref<8192x2048xf32, #tpu.memory_space<hbm>> -> memref<32x2048xf32, #tpu.memory_space<hbm>>
    %dma_wait3A_515 = arith.constant 0 : i32
    %dma_wait3A_516 = tpu.memref_slice %arg2[%add3A_512, %dma_wait3A_515] : memref<8192x2048xf32, #tpu.memory_space<hbm>> -> memref<32x2048xf32, #tpu.memory_space<hbm>>
    tpu.wait_dma2 semaphore(%arg5 : memref<!tpu.dma_semaphore, #tpu.memory_space<semaphore_mem>>) src(%dma_wait3A_516 : memref<32x2048xf32, #tpu.memory_space<hbm>>) dst(%arg4 : memref<32x2048xf32, #tpu.memory_space<vmem>>)
    %add3A_517 = arith.constant 192 : i32
    %add3A_518 = arith.addi %mul3A_2, %add3A_517 : i32
    %dma_start3A_519 = arith.constant 0 : i32
    %dma_start3A_520 = arith.constant 0 : i32
    %dma_start3A_521 = tpu.memref_slice %arg3[%dma_start3A_519, %add3A_518, %dma_start3A_520] : memref<4x8192x2048xf32, #tpu.memory_space<hbm>> -> memref<1x32x2048xf32, #tpu.memory_space<hbm>>
    %dma_start3A_522 = tpu.memref_squeeze %dma_start3A_521 : memref<1x32x2048xf32, #tpu.memory_space<hbm>> -> memref<32x2048xf32, #tpu.memory_space<hbm>>
    %dma_start3A_523 = arith.constant 0 : i32
    %dma_start3A_524 = tpu.memref_slice %arg3[%dma_start3A_519, %add3A_518, %dma_start3A_523] : memref<4x8192x2048xf32, #tpu.memory_space<hbm>> -> memref<1x32x2048xf32, #tpu.memory_space<hbm>>
    %dma_start3A_525 = tpu.memref_squeeze %dma_start3A_524 : memref<1x32x2048xf32, #tpu.memory_space<hbm>> -> memref<32x2048xf32, #tpu.memory_space<hbm>>
    tpu.enqueue_dma source(%arg4 : memref<32x2048xf32, #tpu.memory_space<vmem>>) target(%dma_start3A_525 : memref<32x2048xf32, #tpu.memory_space<hbm>>) target_semaphore(%arg6 : memref<!tpu.dma_semaphore, #tpu.memory_space<semaphore_mem>>)
    %add3A_526 = arith.constant 192 : i32
    %add3A_527 = arith.addi %mul3A_2, %add3A_526 : i32
    %dma_start3A_528 = arith.constant 1 : i32
    %dma_start3A_529 = arith.constant 0 : i32
    %dma_start3A_530 = tpu.memref_slice %arg3[%dma_start3A_528, %add3A_527, %dma_start3A_529] : memref<4x8192x2048xf32, #tpu.memory_space<hbm>> -> memref<1x32x2048xf32, #tpu.memory_space<hbm>>
    %dma_start3A_531 = tpu.memref_squeeze %dma_start3A_530 : memref<1x32x2048xf32, #tpu.memory_space<hbm>> -> memref<32x2048xf32, #tpu.memory_space<hbm>>
    %dma_start3A_532 = arith.constant 0 : i32
    %dma_start3A_533 = tpu.memref_slice %arg3[%dma_start3A_528, %add3A_527, %dma_start3A_532] : memref<4x8192x2048xf32, #tpu.memory_space<hbm>> -> memref<1x32x2048xf32, #tpu.memory_space<hbm>>
    %dma_start3A_534 = tpu.memref_squeeze %dma_start3A_533 : memref<1x32x2048xf32, #tpu.memory_space<hbm>> -> memref<32x2048xf32, #tpu.memory_space<hbm>>
    tpu.enqueue_dma source(%arg4 : memref<32x2048xf32, #tpu.memory_space<vmem>>) target(%dma_start3A_534 : memref<32x2048xf32, #tpu.memory_space<hbm>>) target_semaphore(%arg6 : memref<!tpu.dma_semaphore, #tpu.memory_space<semaphore_mem>>)
    %add3A_535 = arith.constant 192 : i32
    %add3A_536 = arith.addi %mul3A_2, %add3A_535 : i32
    %dma_start3A_537 = arith.constant 2 : i32
    %dma_start3A_538 = arith.constant 0 : i32
    %dma_start3A_539 = tpu.memref_slice %arg3[%dma_start3A_537, %add3A_536, %dma_start3A_538] : memref<4x8192x2048xf32, #tpu.memory_space<hbm>> -> memref<1x32x2048xf32, #tpu.memory_space<hbm>>
    %dma_start3A_540 = tpu.memref_squeeze %dma_start3A_539 : memref<1x32x2048xf32, #tpu.memory_space<hbm>> -> memref<32x2048xf32, #tpu.memory_space<hbm>>
    %dma_start3A_541 = arith.constant 0 : i32
    %dma_start3A_542 = tpu.memref_slice %arg3[%dma_start3A_537, %add3A_536, %dma_start3A_541] : memref<4x8192x2048xf32, #tpu.memory_space<hbm>> -> memref<1x32x2048xf32, #tpu.memory_space<hbm>>
    %dma_start3A_543 = tpu.memref_squeeze %dma_start3A_542 : memref<1x32x2048xf32, #tpu.memory_space<hbm>> -> memref<32x2048xf32, #tpu.memory_space<hbm>>
    tpu.enqueue_dma source(%arg4 : memref<32x2048xf32, #tpu.memory_space<vmem>>) target(%dma_start3A_543 : memref<32x2048xf32, #tpu.memory_space<hbm>>) target_semaphore(%arg6 : memref<!tpu.dma_semaphore, #tpu.memory_space<semaphore_mem>>)
    %add3A_544 = arith.constant 192 : i32
    %add3A_545 = arith.addi %mul3A_2, %add3A_544 : i32
    %dma_start3A_546 = arith.constant 3 : i32
    %dma_start3A_547 = arith.constant 0 : i32
    %dma_start3A_548 = tpu.memref_slice %arg3[%dma_start3A_546, %add3A_545, %dma_start3A_547] : memref<4x8192x2048xf32, #tpu.memory_space<hbm>> -> memref<1x32x2048xf32, #tpu.memory_space<hbm>>
    %dma_start3A_549 = tpu.memref_squeeze %dma_start3A_548 : memref<1x32x2048xf32, #tpu.memory_space<hbm>> -> memref<32x2048xf32, #tpu.memory_space<hbm>>
    %dma_start3A_550 = arith.constant 0 : i32
    %dma_start3A_551 = tpu.memref_slice %arg3[%dma_start3A_546, %add3A_545, %dma_start3A_550] : memref<4x8192x2048xf32, #tpu.memory_space<hbm>> -> memref<1x32x2048xf32, #tpu.memory_space<hbm>>
    %dma_start3A_552 = tpu.memref_squeeze %dma_start3A_551 : memref<1x32x2048xf32, #tpu.memory_space<hbm>> -> memref<32x2048xf32, #tpu.memory_space<hbm>>
    tpu.enqueue_dma source(%arg4 : memref<32x2048xf32, #tpu.memory_space<vmem>>) target(%dma_start3A_552 : memref<32x2048xf32, #tpu.memory_space<hbm>>) target_semaphore(%arg6 : memref<!tpu.dma_semaphore, #tpu.memory_space<semaphore_mem>>)
    %add3A_553 = arith.constant 192 : i32
    %add3A_554 = arith.addi %mul3A_2, %add3A_553 : i32
    %dma_wait3A_555 = arith.constant 0 : i32
    %dma_wait3A_556 = arith.constant 0 : i32
    %dma_wait3A_557 = tpu.memref_slice %arg3[%dma_wait3A_555, %add3A_554, %dma_wait3A_556] : memref<4x8192x2048xf32, #tpu.memory_space<hbm>> -> memref<1x32x2048xf32, #tpu.memory_space<hbm>>
    %dma_wait3A_558 = tpu.memref_squeeze %dma_wait3A_557 : memref<1x32x2048xf32, #tpu.memory_space<hbm>> -> memref<32x2048xf32, #tpu.memory_space<hbm>>
    %dma_wait3A_559 = arith.constant 0 : i32
    %dma_wait3A_560 = tpu.memref_slice %arg3[%dma_wait3A_555, %add3A_554, %dma_wait3A_559] : memref<4x8192x2048xf32, #tpu.memory_space<hbm>> -> memref<1x32x2048xf32, #tpu.memory_space<hbm>>
    %dma_wait3A_561 = tpu.memref_squeeze %dma_wait3A_560 : memref<1x32x2048xf32, #tpu.memory_space<hbm>> -> memref<32x2048xf32, #tpu.memory_space<hbm>>
    tpu.wait_dma2 semaphore(%arg6 : memref<!tpu.dma_semaphore, #tpu.memory_space<semaphore_mem>>) src(%arg4 : memref<32x2048xf32, #tpu.memory_space<vmem>>) dst(%dma_wait3A_561 : memref<32x2048xf32, #tpu.memory_space<hbm>>)
    %add3A_562 = arith.constant 192 : i32
    %add3A_563 = arith.addi %mul3A_2, %add3A_562 : i32
    %dma_wait3A_564 = arith.constant 1 : i32
    %dma_wait3A_565 = arith.constant 0 : i32
    %dma_wait3A_566 = tpu.memref_slice %arg3[%dma_wait3A_564, %add3A_563, %dma_wait3A_565] : memref<4x8192x2048xf32, #tpu.memory_space<hbm>> -> memref<1x32x2048xf32, #tpu.memory_space<hbm>>
    %dma_wait3A_567 = tpu.memref_squeeze %dma_wait3A_566 : memref<1x32x2048xf32, #tpu.memory_space<hbm>> -> memref<32x2048xf32, #tpu.memory_space<hbm>>
    %dma_wait3A_568 = arith.constant 0 : i32
    %dma_wait3A_569 = tpu.memref_slice %arg3[%dma_wait3A_564, %add3A_563, %dma_wait3A_568] : memref<4x8192x2048xf32, #tpu.memory_space<hbm>> -> memref<1x32x2048xf32, #tpu.memory_space<hbm>>
    %dma_wait3A_570 = tpu.memref_squeeze %dma_wait3A_569 : memref<1x32x2048xf32, #tpu.memory_space<hbm>> -> memref<32x2048xf32, #tpu.memory_space<hbm>>
    tpu.wait_dma2 semaphore(%arg6 : memref<!tpu.dma_semaphore, #tpu.memory_space<semaphore_mem>>) src(%arg4 : memref<32x2048xf32, #tpu.memory_space<vmem>>) dst(%dma_wait3A_570 : memref<32x2048xf32, #tpu.memory_space<hbm>>)
    %add3A_571 = arith.constant 192 : i32
    %add3A_572 = arith.addi %mul3A_2, %add3A_571 : i32
    %dma_wait3A_573 = arith.constant 2 : i32
    %dma_wait3A_574 = arith.constant 0 : i32
    %dma_wait3A_575 = tpu.memref_slice %arg3[%dma_wait3A_573, %add3A_572, %dma_wait3A_574] : memref<4x8192x2048xf32, #tpu.memory_space<hbm>> -> memref<1x32x2048xf32, #tpu.memory_space<hbm>>
    %dma_wait3A_576 = tpu.memref_squeeze %dma_wait3A_575 : memref<1x32x2048xf32, #tpu.memory_space<hbm>> -> memref<32x2048xf32, #tpu.memory_space<hbm>>
    %dma_wait3A_577 = arith.constant 0 : i32
    %dma_wait3A_578 = tpu.memref_slice %arg3[%dma_wait3A_573, %add3A_572, %dma_wait3A_577] : memref<4x8192x2048xf32, #tpu.memory_space<hbm>> -> memref<1x32x2048xf32, #tpu.memory_space<hbm>>
    %dma_wait3A_579 = tpu.memref_squeeze %dma_wait3A_578 : memref<1x32x2048xf32, #tpu.memory_space<hbm>> -> memref<32x2048xf32, #tpu.memory_space<hbm>>
    tpu.wait_dma2 semaphore(%arg6 : memref<!tpu.dma_semaphore, #tpu.memory_space<semaphore_mem>>) src(%arg4 : memref<32x2048xf32, #tpu.memory_space<vmem>>) dst(%dma_wait3A_579 : memref<32x2048xf32, #tpu.memory_space<hbm>>)
    %add3A_580 = arith.constant 192 : i32
    %add3A_581 = arith.addi %mul3A_2, %add3A_580 : i32
    %dma_wait3A_582 = arith.constant 3 : i32
    %dma_wait3A_583 = arith.constant 0 : i32
    %dma_wait3A_584 = tpu.memref_slice %arg3[%dma_wait3A_582, %add3A_581, %dma_wait3A_583] : memref<4x8192x2048xf32, #tpu.memory_space<hbm>> -> memref<1x32x2048xf32, #tpu.memory_space<hbm>>
    %dma_wait3A_585 = tpu.memref_squeeze %dma_wait3A_584 : memref<1x32x2048xf32, #tpu.memory_space<hbm>> -> memref<32x2048xf32, #tpu.memory_space<hbm>>
    %dma_wait3A_586 = arith.constant 0 : i32
    %dma_wait3A_587 = tpu.memref_slice %arg3[%dma_wait3A_582, %add3A_581, %dma_wait3A_586] : memref<4x8192x2048xf32, #tpu.memory_space<hbm>> -> memref<1x32x2048xf32, #tpu.memory_space<hbm>>
    %dma_wait3A_588 = tpu.memref_squeeze %dma_wait3A_587 : memref<1x32x2048xf32, #tpu.memory_space<hbm>> -> memref<32x2048xf32, #tpu.memory_space<hbm>>
    tpu.wait_dma2 semaphore(%arg6 : memref<!tpu.dma_semaphore, #tpu.memory_space<semaphore_mem>>) src(%arg4 : memref<32x2048xf32, #tpu.memory_space<vmem>>) dst(%dma_wait3A_588 : memref<32x2048xf32, #tpu.memory_space<hbm>>)
    %add3A_589 = arith.constant 224 : i32
    %add3A_590 = arith.addi %mul3A_2, %add3A_589 : i32
    %dma_start3A_591 = arith.constant 0 : i32
    %dma_start3A_592 = tpu.memref_slice %arg2[%add3A_590, %dma_start3A_591] : memref<8192x2048xf32, #tpu.memory_space<hbm>> -> memref<32x2048xf32, #tpu.memory_space<hbm>>
    %dma_start3A_593 = arith.constant 0 : i32
    %dma_start3A_594 = tpu.memref_slice %arg2[%add3A_590, %dma_start3A_593] : memref<8192x2048xf32, #tpu.memory_space<hbm>> -> memref<32x2048xf32, #tpu.memory_space<hbm>>
    tpu.enqueue_dma source(%dma_start3A_594 : memref<32x2048xf32, #tpu.memory_space<hbm>>) target(%arg4 : memref<32x2048xf32, #tpu.memory_space<vmem>>) target_semaphore(%arg5 : memref<!tpu.dma_semaphore, #tpu.memory_space<semaphore_mem>>)
    %add3A_595 = arith.constant 224 : i32
    %add3A_596 = arith.addi %mul3A_2, %add3A_595 : i32
    %dma_wait3A_597 = arith.constant 0 : i32
    %dma_wait3A_598 = tpu.memref_slice %arg2[%add3A_596, %dma_wait3A_597] : memref<8192x2048xf32, #tpu.memory_space<hbm>> -> memref<32x2048xf32, #tpu.memory_space<hbm>>
    %dma_wait3A_599 = arith.constant 0 : i32
    %dma_wait3A_600 = tpu.memref_slice %arg2[%add3A_596, %dma_wait3A_599] : memref<8192x2048xf32, #tpu.memory_space<hbm>> -> memref<32x2048xf32, #tpu.memory_space<hbm>>
    tpu.wait_dma2 semaphore(%arg5 : memref<!tpu.dma_semaphore, #tpu.memory_space<semaphore_mem>>) src(%dma_wait3A_600 : memref<32x2048xf32, #tpu.memory_space<hbm>>) dst(%arg4 : memref<32x2048xf32, #tpu.memory_space<vmem>>)
    %add3A_601 = arith.constant 224 : i32
    %add3A_602 = arith.addi %mul3A_2, %add3A_601 : i32
    %dma_start3A_603 = arith.constant 0 : i32
    %dma_start3A_604 = arith.constant 0 : i32
    %dma_start3A_605 = tpu.memref_slice %arg3[%dma_start3A_603, %add3A_602, %dma_start3A_604] : memref<4x8192x2048xf32, #tpu.memory_space<hbm>> -> memref<1x32x2048xf32, #tpu.memory_space<hbm>>
    %dma_start3A_606 = tpu.memref_squeeze %dma_start3A_605 : memref<1x32x2048xf32, #tpu.memory_space<hbm>> -> memref<32x2048xf32, #tpu.memory_space<hbm>>
    %dma_start3A_607 = arith.constant 0 : i32
    %dma_start3A_608 = tpu.memref_slice %arg3[%dma_start3A_603, %add3A_602, %dma_start3A_607] : memref<4x8192x2048xf32, #tpu.memory_space<hbm>> -> memref<1x32x2048xf32, #tpu.memory_space<hbm>>
    %dma_start3A_609 = tpu.memref_squeeze %dma_start3A_608 : memref<1x32x2048xf32, #tpu.memory_space<hbm>> -> memref<32x2048xf32, #tpu.memory_space<hbm>>
    tpu.enqueue_dma source(%arg4 : memref<32x2048xf32, #tpu.memory_space<vmem>>) target(%dma_start3A_609 : memref<32x2048xf32, #tpu.memory_space<hbm>>) target_semaphore(%arg6 : memref<!tpu.dma_semaphore, #tpu.memory_space<semaphore_mem>>)
    %add3A_610 = arith.constant 224 : i32
    %add3A_611 = arith.addi %mul3A_2, %add3A_610 : i32
    %dma_start3A_612 = arith.constant 1 : i32
    %dma_start3A_613 = arith.constant 0 : i32
    %dma_start3A_614 = tpu.memref_slice %arg3[%dma_start3A_612, %add3A_611, %dma_start3A_613] : memref<4x8192x2048xf32, #tpu.memory_space<hbm>> -> memref<1x32x2048xf32, #tpu.memory_space<hbm>>
    %dma_start3A_615 = tpu.memref_squeeze %dma_start3A_614 : memref<1x32x2048xf32, #tpu.memory_space<hbm>> -> memref<32x2048xf32, #tpu.memory_space<hbm>>
    %dma_start3A_616 = arith.constant 0 : i32
    %dma_start3A_617 = tpu.memref_slice %arg3[%dma_start3A_612, %add3A_611, %dma_start3A_616] : memref<4x8192x2048xf32, #tpu.memory_space<hbm>> -> memref<1x32x2048xf32, #tpu.memory_space<hbm>>
    %dma_start3A_618 = tpu.memref_squeeze %dma_start3A_617 : memref<1x32x2048xf32, #tpu.memory_space<hbm>> -> memref<32x2048xf32, #tpu.memory_space<hbm>>
    tpu.enqueue_dma source(%arg4 : memref<32x2048xf32, #tpu.memory_space<vmem>>) target(%dma_start3A_618 : memref<32x2048xf32, #tpu.memory_space<hbm>>) target_semaphore(%arg6 : memref<!tpu.dma_semaphore, #tpu.memory_space<semaphore_mem>>)
    %add3A_619 = arith.constant 224 : i32
    %add3A_620 = arith.addi %mul3A_2, %add3A_619 : i32
    %dma_start3A_621 = arith.constant 2 : i32
    %dma_start3A_622 = arith.constant 0 : i32
    %dma_start3A_623 = tpu.memref_slice %arg3[%dma_start3A_621, %add3A_620, %dma_start3A_622] : memref<4x8192x2048xf32, #tpu.memory_space<hbm>> -> memref<1x32x2048xf32, #tpu.memory_space<hbm>>
    %dma_start3A_624 = tpu.memref_squeeze %dma_start3A_623 : memref<1x32x2048xf32, #tpu.memory_space<hbm>> -> memref<32x2048xf32, #tpu.memory_space<hbm>>
    %dma_start3A_625 = arith.constant 0 : i32
    %dma_start3A_626 = tpu.memref_slice %arg3[%dma_start3A_621, %add3A_620, %dma_start3A_625] : memref<4x8192x2048xf32, #tpu.memory_space<hbm>> -> memref<1x32x2048xf32, #tpu.memory_space<hbm>>
    %dma_start3A_627 = tpu.memref_squeeze %dma_start3A_626 : memref<1x32x2048xf32, #tpu.memory_space<hbm>> -> memref<32x2048xf32, #tpu.memory_space<hbm>>
    tpu.enqueue_dma source(%arg4 : memref<32x2048xf32, #tpu.memory_space<vmem>>) target(%dma_start3A_627 : memref<32x2048xf32, #tpu.memory_space<hbm>>) target_semaphore(%arg6 : memref<!tpu.dma_semaphore, #tpu.memory_space<semaphore_mem>>)
    %add3A_628 = arith.constant 224 : i32
    %add3A_629 = arith.addi %mul3A_2, %add3A_628 : i32
    %dma_start3A_630 = arith.constant 3 : i32
    %dma_start3A_631 = arith.constant 0 : i32
    %dma_start3A_632 = tpu.memref_slice %arg3[%dma_start3A_630, %add3A_629, %dma_start3A_631] : memref<4x8192x2048xf32, #tpu.memory_space<hbm>> -> memref<1x32x2048xf32, #tpu.memory_space<hbm>>
    %dma_start3A_633 = tpu.memref_squeeze %dma_start3A_632 : memref<1x32x2048xf32, #tpu.memory_space<hbm>> -> memref<32x2048xf32, #tpu.memory_space<hbm>>
    %dma_start3A_634 = arith.constant 0 : i32
    %dma_start3A_635 = tpu.memref_slice %arg3[%dma_start3A_630, %add3A_629, %dma_start3A_634] : memref<4x8192x2048xf32, #tpu.memory_space<hbm>> -> memref<1x32x2048xf32, #tpu.memory_space<hbm>>
    %dma_start3A_636 = tpu.memref_squeeze %dma_start3A_635 : memref<1x32x2048xf32, #tpu.memory_space<hbm>> -> memref<32x2048xf32, #tpu.memory_space<hbm>>
    tpu.enqueue_dma source(%arg4 : memref<32x2048xf32, #tpu.memory_space<vmem>>) target(%dma_start3A_636 : memref<32x2048xf32, #tpu.memory_space<hbm>>) target_semaphore(%arg6 : memref<!tpu.dma_semaphore, #tpu.memory_space<semaphore_mem>>)
    %add3A_637 = arith.constant 224 : i32
    %add3A_638 = arith.addi %mul3A_2, %add3A_637 : i32
    %dma_wait3A_639 = arith.constant 0 : i32
    %dma_wait3A_640 = arith.constant 0 : i32
    %dma_wait3A_641 = tpu.memref_slice %arg3[%dma_wait3A_639, %add3A_638, %dma_wait3A_640] : memref<4x8192x2048xf32, #tpu.memory_space<hbm>> -> memref<1x32x2048xf32, #tpu.memory_space<hbm>>
    %dma_wait3A_642 = tpu.memref_squeeze %dma_wait3A_641 : memref<1x32x2048xf32, #tpu.memory_space<hbm>> -> memref<32x2048xf32, #tpu.memory_space<hbm>>
    %dma_wait3A_643 = arith.constant 0 : i32
    %dma_wait3A_644 = tpu.memref_slice %arg3[%dma_wait3A_639, %add3A_638, %dma_wait3A_643] : memref<4x8192x2048xf32, #tpu.memory_space<hbm>> -> memref<1x32x2048xf32, #tpu.memory_space<hbm>>
    %dma_wait3A_645 = tpu.memref_squeeze %dma_wait3A_644 : memref<1x32x2048xf32, #tpu.memory_space<hbm>> -> memref<32x2048xf32, #tpu.memory_space<hbm>>
    tpu.wait_dma2 semaphore(%arg6 : memref<!tpu.dma_semaphore, #tpu.memory_space<semaphore_mem>>) src(%arg4 : memref<32x2048xf32, #tpu.memory_space<vmem>>) dst(%dma_wait3A_645 : memref<32x2048xf32, #tpu.memory_space<hbm>>)
    %add3A_646 = arith.constant 224 : i32
    %add3A_647 = arith.addi %mul3A_2, %add3A_646 : i32
    %dma_wait3A_648 = arith.constant 1 : i32
    %dma_wait3A_649 = arith.constant 0 : i32
    %dma_wait3A_650 = tpu.memref_slice %arg3[%dma_wait3A_648, %add3A_647, %dma_wait3A_649] : memref<4x8192x2048xf32, #tpu.memory_space<hbm>> -> memref<1x32x2048xf32, #tpu.memory_space<hbm>>
    %dma_wait3A_651 = tpu.memref_squeeze %dma_wait3A_650 : memref<1x32x2048xf32, #tpu.memory_space<hbm>> -> memref<32x2048xf32, #tpu.memory_space<hbm>>
    %dma_wait3A_652 = arith.constant 0 : i32
    %dma_wait3A_653 = tpu.memref_slice %arg3[%dma_wait3A_648, %add3A_647, %dma_wait3A_652] : memref<4x8192x2048xf32, #tpu.memory_space<hbm>> -> memref<1x32x2048xf32, #tpu.memory_space<hbm>>
    %dma_wait3A_654 = tpu.memref_squeeze %dma_wait3A_653 : memref<1x32x2048xf32, #tpu.memory_space<hbm>> -> memref<32x2048xf32, #tpu.memory_space<hbm>>
    tpu.wait_dma2 semaphore(%arg6 : memref<!tpu.dma_semaphore, #tpu.memory_space<semaphore_mem>>) src(%arg4 : memref<32x2048xf32, #tpu.memory_space<vmem>>) dst(%dma_wait3A_654 : memref<32x2048xf32, #tpu.memory_space<hbm>>)
    %add3A_655 = arith.constant 224 : i32
    %add3A_656 = arith.addi %mul3A_2, %add3A_655 : i32
    %dma_wait3A_657 = arith.constant 2 : i32
    %dma_wait3A_658 = arith.constant 0 : i32
    %dma_wait3A_659 = tpu.memref_slice %arg3[%dma_wait3A_657, %add3A_656, %dma_wait3A_658] : memref<4x8192x2048xf32, #tpu.memory_space<hbm>> -> memref<1x32x2048xf32, #tpu.memory_space<hbm>>
    %dma_wait3A_660 = tpu.memref_squeeze %dma_wait3A_659 : memref<1x32x2048xf32, #tpu.memory_space<hbm>> -> memref<32x2048xf32, #tpu.memory_space<hbm>>
    %dma_wait3A_661 = arith.constant 0 : i32
    %dma_wait3A_662 = tpu.memref_slice %arg3[%dma_wait3A_657, %add3A_656, %dma_wait3A_661] : memref<4x8192x2048xf32, #tpu.memory_space<hbm>> -> memref<1x32x2048xf32, #tpu.memory_space<hbm>>
    %dma_wait3A_663 = tpu.memref_squeeze %dma_wait3A_662 : memref<1x32x2048xf32, #tpu.memory_space<hbm>> -> memref<32x2048xf32, #tpu.memory_space<hbm>>
    tpu.wait_dma2 semaphore(%arg6 : memref<!tpu.dma_semaphore, #tpu.memory_space<semaphore_mem>>) src(%arg4 : memref<32x2048xf32, #tpu.memory_space<vmem>>) dst(%dma_wait3A_663 : memref<32x2048xf32, #tpu.memory_space<hbm>>)
    %add3A_664 = arith.constant 224 : i32
    %add3A_665 = arith.addi %mul3A_2, %add3A_664 : i32
    %dma_wait3A_666 = arith.constant 3 : i32
    %dma_wait3A_667 = arith.constant 0 : i32
    %dma_wait3A_668 = tpu.memref_slice %arg3[%dma_wait3A_666, %add3A_665, %dma_wait3A_667] : memref<4x8192x2048xf32, #tpu.memory_space<hbm>> -> memref<1x32x2048xf32, #tpu.memory_space<hbm>>
    %dma_wait3A_669 = tpu.memref_squeeze %dma_wait3A_668 : memref<1x32x2048xf32, #tpu.memory_space<hbm>> -> memref<32x2048xf32, #tpu.memory_space<hbm>>
    %dma_wait3A_670 = arith.constant 0 : i32
    %dma_wait3A_671 = tpu.memref_slice %arg3[%dma_wait3A_666, %add3A_665, %dma_wait3A_670] : memref<4x8192x2048xf32, #tpu.memory_space<hbm>> -> memref<1x32x2048xf32, #tpu.memory_space<hbm>>
    %dma_wait3A_672 = tpu.memref_squeeze %dma_wait3A_671 : memref<1x32x2048xf32, #tpu.memory_space<hbm>> -> memref<32x2048xf32, #tpu.memory_space<hbm>>
    tpu.wait_dma2 semaphore(%arg6 : memref<!tpu.dma_semaphore, #tpu.memory_space<semaphore_mem>>) src(%arg4 : memref<32x2048xf32, #tpu.memory_space<vmem>>) dst(%dma_wait3A_672 : memref<32x2048xf32, #tpu.memory_space<hbm>>)
    return
  }
}

</mosaic_0001>

<sc_bundles>
// kernel: kernel.3.cloned.1.call-start
scs
__scs_entry_jumppad:
0x0: {  	(pc) =	sbr.rel $0x88, $3  }
0x1: {  	(tag) =	ssettag $0x0;
	lr =	simm.s32 $0x1  }
0x2: {  	[smem:$0x3FA0] =	sst lr;
	_ =	strace $0xD0000000  }
0x3: {  	_ = 	snop  }
0x4: {  	_ = 	snop  }
0x5: {  	_ = 	snop  }
0x6: {  	_ = 	snop  }
0x7: {  	_ = 	snop  }
__scs_overlays_trampoline_lowered:
0x8: {  	[smem:$0x3FAF] =	sst s0  }
0x9: {  	[smem:$0x3FB0] =	sst s1  }
0xa: {  	[smem:$0x3FB1] =	sst s2  }
0xb: {  	[smem:$0x3FB2] =	sst s3  }
0xc: {  	[smem:$0x3FB3] =	sst s4  }
0xd: {  	[smem:$0x3FB4] =	sst s5  }
0xe: {  	[smem:$0x3FB5] =	sst s6  }
0xf: {  	[smem:$0x3FB6] =	sst s7  }
0x10: {  	[smem:$0x3FB7] =	sst s8  }
0x11: {  	[smem:$0x3FB8] =	sst s9;
	s0 =	simm.s32 @!p0 $0x0  }
0x12: {  	s1 =	sld [smem:$0x3F9E];
	s0 =	simm.s32 @p0 $0x1  }
0x13: {  	[smem:$0x3FB9] =	sst s0;
	s0 =	simm.s32 @!p1 $0x0  }
0x14: {  	s2 =	sld [smem:$0x3F9D];
	s0 =	simm.s32 @p1 $0x1  }
0x15: {  	[smem:$0x3FBA] =	sst s0;
	s0 =	simm.s32 @!p2 $0x0  }
0x16: {  	s3 =	sld [smem:$0x3FDB];
	s0 =	simm.s32 @p2 $0x1  }
0x17: {  	s4 =	simm.s32 $0x1BF5;
	[smem:$0x3FBC] =	sst s0  }
0x18: {  	s0 =	sld [smem:$0x3F9F];
	_ =	swait.ge [sflag:s4], $0x0  }
0x19: {  	s7 =	sld [smem:$0x3FA0]  }
0x1a: {  	s8 =	sadd.s32 $0xFFFFE003, lr  }
0x1b: {  	s9 =	sadd.s32 $0xFFFFFEF7, lr;
	s5 =	simm.s32 $0xFFFFFFFF;
	p2 =	slt.u32 s8, $0xFFFFF086  }
0x1c: {  	p1 =	slt.u32 s9, $0xF7A;
	s5 =	simm.s32 @!p2 $0x0  }
0x1d: {  	s5 =	simm.s32 @p1 $0x1;
	p0 =	seq.s32 s7, s2  }
0x1e: {  	s7 =	smul.u32 @!p0 $0xF7A, s2;
	p2 =	seq.s32 @!p0 s5, $0x0  }
0x1f: {  	s9 =	smul.u32 $0xF7A, s1;
	s8 =	simm.s32 @!p0 $0x1BF5;
	p2 =	por !p2, p0  }
0x20: {  	[sflag:s8] =	ssyncset.s32 @!p0 $0xFFFFF086;
	s6 =	sadd.s32 @!p0 s3, s7;
	s7 =	simm.s32 @!p0 $0x108  }
0x21: {  	s3 =	sadd.s32 s3, s9;
	s6 =	sadd.s32 @!p0 $0x88, s6;
	s7 =	simm.s32 @p2 $0x1082  }
0x22: {  	[simem:s7], [sflag:s8] =	dma.local @!p0 [hbm:s6], $0xF7A  }
0x23: {  	s9 =	sor.u32 $0xD0000000, s2;
	s6 =	simm.s32 $0x108;
	_ =	swait.ge @!p0 [sflag:s8], $0x0  }
0x24: {  	s3 =	sadd.s32 $0x88, s3;
	s6 =	simm.s32 @!p1 $0x1082;
	[sflag:s4] =	ssyncset.s32 $0xFFFFF086  }
0x25: {  	[simem:s6], [sflag:s4] =	dma.local [hbm:s3], $0xF7A  }
0x26: {  	[smem:$0x3FA0] =	sst s1;
	(tag) =	ssettag s2;
	_ =	strace s9  }
0x27: {  	s1 =	sld [smem:$0x3FB0]  }
0x28: {  	s2 =	sld [smem:$0x3FB1]  }
0x29: {  	s4 =	sld [smem:$0x3FB3]  }
0x2a: {  	p0 =	seq.s32 s5, $0x0;
	s5 =	sld [smem:$0x3FB4]  }
0x2b: {  	s6 =	sld [smem:$0x3FB5]  }
0x2c: {  	s7 =	sld [smem:$0x3FB6]  }
0x2d: {  	s3 =	simm.s32 $0x108;
	s8 =	sld [smem:$0x3FB7]  }
0x2e: {  	s3 =	simm.s32 @!p0 $0x1082;
	s9 =	sld [smem:$0x3FB8]  }
0x2f: {  	lr =	sadd.s32 s0, s3;
	s0 =	sld [smem:$0x3FAF]  }
0x30: {  	s3 =	sld [smem:$0x3FB2]  }
0x31: {  	[smem:$0x3FBB] =	sst s10  }
0x32: {  	s10 =	sld [smem:$0x3FB9];
	_ =	sdelay $0x3  }
0x33: {  	p0 =	seq.s32 s10, $0x1;
	s10 =	sld [smem:$0x3FBB];
	_ =	sdelay $0x3  }
0x34: {  	[smem:$0x3FBB] =	sst s10  }
0x35: {  	s10 =	sld [smem:$0x3FBA];
	_ =	sdelay $0x3  }
0x36: {  	p1 =	seq.s32 s10, $0x1;
	s10 =	sld [smem:$0x3FBB];
	_ =	sdelay $0x3  }
0x37: {  	[smem:$0x3FBB] =	sst s10  }
0x38: {  	s10 =	sld [smem:$0x3FBC]  }
0x39: {  	_ = 	snop;
	(pc) =	sbr.ind lr, $3  }
0x3a: {  	_ = 	snop  }
0x3b: {  	_ = 	snop  }
0x3c: {  	p2 =	seq.s32 s10, $0x1;
	s10 =	sld [smem:$0x3FBB]  }
0x3d: {  	_ =	shalt  }
0x3e: {  	_ =	shalt  }
0x3f: {  	_ =	shalt  }
0x40: {  	_ =	shalt  }
0x41: {  	_ =	shalt  }
0x42: {  	_ =	shalt  }
0x43: {  	_ =	shalt  }
0x44: {  	_ =	shalt  }
0x45: {  	_ =	shalt  }
0x46: {  	_ =	shalt  }
0x47: {  	_ =	shalt  }
0x48: {  	_ =	shalt  }
0x49: {  	_ =	shalt  }
0x4a: {  	_ =	shalt  }
0x4b: {  	_ =	shalt  }
0x4c: {  	_ =	shalt  }
0x4d: {  	_ =	shalt  }
0x4e: {  	_ =	shalt  }
0x4f: {  	_ =	shalt  }
0x50: {  	_ =	shalt  }
0x51: {  	_ =	shalt  }
0x52: {  	_ =	shalt  }
0x53: {  	_ =	shalt  }
0x54: {  	_ =	shalt  }
0x55: {  	_ =	shalt  }
0x56: {  	_ =	shalt  }
0x57: {  	_ =	shalt  }
0x58: {  	_ =	shalt  }
0x59: {  	_ =	shalt  }
0x5a: {  	_ =	shalt  }
0x5b: {  	_ =	shalt  }
0x5c: {  	_ =	shalt  }
0x5d: {  	_ =	shalt  }
0x5e: {  	_ =	shalt  }
0x5f: {  	_ =	shalt  }
0x60: {  	_ =	shalt  }
0x61: {  	_ =	shalt  }
0x62: {  	_ =	shalt  }
0x63: {  	_ =	shalt  }
0x64: {  	_ =	shalt  }
0x65: {  	_ =	shalt  }
0x66: {  	_ =	shalt  }
0x67: {  	_ =	shalt  }
0x68: {  	_ =	shalt  }
0x69: {  	_ =	shalt  }
0x6a: {  	_ =	shalt  }
0x6b: {  	_ =	shalt  }
0x6c: {  	_ =	shalt  }
0x6d: {  	_ =	shalt  }
0x6e: {  	_ =	shalt  }
0x6f: {  	_ =	shalt  }
0x70: {  	_ =	shalt  }
0x71: {  	_ =	shalt  }
0x72: {  	_ =	shalt  }
0x73: {  	_ =	shalt  }
0x74: {  	_ =	shalt  }
0x75: {  	_ =	shalt  }
0x76: {  	_ =	shalt  }
0x77: {  	_ =	shalt  }
0x78: {  	_ =	shalt  }
0x79: {  	_ =	shalt  }
0x7a: {  	_ =	shalt  }
0x7b: {  	_ =	shalt  }
0x7c: {  	_ =	shalt  }
0x7d: {  	_ =	shalt  }
0x7e: {  	_ =	shalt  }
0x7f: {  	_ =	shalt  }
0x80: {  	_ =	shalt  }
0x81: {  	_ =	shalt  }
0x82: {  	_ =	shalt  }
0x83: {  	_ =	shalt  }
0x84: {  	_ =	shalt  }
0x85: {  	_ =	shalt  }
0x86: {  	_ =	shalt  }
0x87: {  	_ =	shalt  }
.Lfunc_end0:
.L_simem_size_0:
called_computation_lowered:
.L_overlay_start_0:
0x88: {  	s2 =	sld [smem:$0x3FD9]  }
0x89: {  	s3 =	sld [smem:$0x3FFE];
	_ =	sdelay $0x1  }
0x8a: {  	s1 =	srdreg.scid  }
0x8b: {  	s0 =	sand.u32 $0x1, s1  }
0x8c: {  	s18 =	sshll.u32 s0, $0xA;
	s2 =	sadd.s32 s3, s2  }
0x8d: {  	s2 =	sadd.s32 s2, s18  }
0x8e: {  	[smem:$0x3FC7] =	sst s2  }
0x8f: {  	_ = 	snop  }
0x90: {  	s2 =	sld [smem:$0x3FC9]  }
0x91: {  	s19 =	sld [smem:$0x3FD0];
	(tm) =	ssettm $0x1  }
0x92: {  	s4 =	sld [smem:$0x3FFB];
	_ =	sdelay $0x3  }
0x93: {  	_ =	strace s4  }
0x94: {  	s4 =	sld [smem:$0x3FFC];
	_ =	sdelay $0x3  }
0x95: {  	_ =	strace s4  }
0x96: {  	s4 =	sld [smem:$0x3FFD];
	_ =	sdelay $0x3  }
0x97: {  	_ =	strace s4  }
0x98: {  	_ =	strace $0x8FFFFFFF  }
0x99: {  	s20 =	sld [smem:$0x3FDB];
	_ =	sdelay $0x1  }
0x9a: {  	s5 =	simm.s32 $_scs_section_size  }
0x9b: {  	s6 =	simm.s32 $_size__tile_overlayer_lowered;
	s7 =	simm.s32 $_tile_overlayer_lowered  }
0x9c: {  	s23 =	simm.s32 $0x1BFF;
	s22 =	sshll.u32 s7, $0x1;
	s4 =	sadd.s32 s5, s20  }
0x9d: {  	s8 =	simm.s32 $0x0;
	s21 =	sshll.u32 s6, $0x1;
	s6 =	sadd.s32 s22, s4  }
0x9e: {  	[timem:s8], [sflag:s23] =	dma.local [hbm:s6], s21  }
0x9f: {  	_ =	swait.ge [sflag:s23], s21  }
0xa0: {  	s5 =	ssub.s32 $0x0, s21;
	[sflag:s23] =	ssyncset.done $0x0  }
0xa1: {  	[sflag:s23] =	ssyncadd.s32 s5;
	_ =	sdelay $0x1  }
0xa2: {  	s24 =	simm.s32 $0x1B8B  }
0xa3: {  	_ =	swait.ge [sflag:s24], $0x1  }
0xa4: {  	[sflag:s24] =	ssyncset.done $0x0  }
0xa5: {  	s25 =	simm.s32 $0x1B8E;
	[sflag:s24] =	ssyncadd.s32 $0xFFFFFFFF  }
0xa6: {  	s26 =	simm.s32 $execute0_lowered;
	[smem:$0x3FD2] =	sst s25  }
0xa7: {  	s5 =	sshll.u32 s26, $0x1;
	_ =	strace $0x80000046;
	[dreg:$0x1] =	wrdreg $0xFFFFFFFF  }
0xa8: {  	s28 =	simm.s32 $_size_execute0_lowered;
	s4 =	sadd.s32 s4, s5;
	[dreg:$0x0] =	wrdreg $0x0  }
0xa9: {  	s5 =	sshll.u32 s28, $0x1;
	[dreg:$0x2] =	wrdreg s4  }
0xaa: {  	[dreg:$0x3] =	wrdreg s5  }
0xab: {  	[dreg:$0x4] =	wrdreg $0xC0  }
0xac: {  	_ =	task [dreg:s8], $0x5FFFF  }
0xad: {  	[dreg:$0x1] =	wrdreg $0xFFFFFFFF  }
0xae: {  	[dreg:$0x0] =	wrdreg $0x60  }
0xaf: {  	[dreg:$0x2] =	wrdreg s2  }
0xb0: {  	[dreg:$0x3] =	wrdreg s19  }
0xb1: {  	[dreg:$0x4] =	wrdreg $0x9  }
0xb2: {  	_ =	task.clear_ibuf [dreg:s8], $0x5FFFF;
	_ =	strace $0x90000046  }
0xb3: {  	s29 =	simm.s32 $0x9;
	_ =	strace $0x80000048  }
0xb4: {  	_ =	swait.ge [sflag:s29], $0x1  }
0xb5: {  	[sflag:s29] =	ssyncadd.s32 $0xFFFFFFFF  }
0xb6: {  	_ =	strace $0x90000048  }
0xb7: {  	_ =	sfence  }
0xb8: {  	s30 =	sld [smem:$0x0];
	_ =	sdelay $0x2  }
0xb9: {  	s31 =	sshll.u32 s1, $0xD;
	s1 =	sshrl.u32 s1, $0x2  }
0xba: {  	s3 =	sand.u32 $0x4000, s31;
	s1 =	sadd.s32 s1, s30  }
0xbb: {  	s0 =	sor.u32 s3, s0;
	s1 =	sshll.u32 s1, $0x11  }
0xbc: {  	s0 =	sor.u32 s1, s0  }
0xbd: {  	s0 =	sadd.s32 $0x8F2B, s0  }
0xbe: {  	[sflag:s0] =	ssyncadd.remote.s32 $0x1  }
0xbf: {  	_ =	sfence.sel $0xFFFF  }
0xc0: {  	[dreg:$0x0] =	wrdreg $0xFFFFFFFF;
	(pc) =	sbr.abs _section_cstart, $3  }
0xc1: {  	[dreg:$0x1] =	wrdreg $0xFFFFFFFF  }
0xc2: {  	_ =	task.clear_ibuf [dreg:s8], $0x2FFFF;
	_ =	strace $0x9FFFFFFF  }
0xc3: {  	(tm) =	ssettm $0x7FFFFFFF  }
tec
execute0_lowered:
.L_overlay_start_1:
0x0: {  	(tag) =	ssettag $0x1  }
0x1: {  	s3 =	rddreg [dreg:$0x0]  }
0x2: {  	s0 =	rddreg [dreg:$0x1]  }
0x3: {  	s1 =	srdreg.scid;
	s4 =	stileid.u32;
	s2 =	simm.s32 $0x0  }
0x4: {  	p0 =	por $0x0, $0x0;
	s1 =	sand.u32 $0x1, s1;
	s4 =	sshll.u32 s4, $0x11  }
0x5: {  	[smem:$0x7FF] =	sst s2;
	s5 =	sshll.u32 s1, $0x10;
	s1 =	ssub.s32 $0x2, s1  }
0x6: {  	_ =	strace $0x80000047;
	s4 =	sor.u32 s5, s4;
	s9 =	sshrl.u32 s1, $0x1  }
0x7: {  	s5 =	sadd.s32 s3, s4;
	s31 =	sadd.s32 s0, s4;
	s6 =	sor.u32 $0x2000, s4  }
0x8: {  	s25 =	sor.u32 $0x4000, s4;
	s1 =	ssub.s32 s1, s9;
	s11 =	sor.u32 $0x6000, s4  }
0x9: {  	s12 =	sor.u32 $0x8000, s4;
	[dreg:$0x3] =	wrdreg s5;
	s17 =	sadd.s32 $0x200000, s31  }
0xa: {  	s13 =	sor.u32 $0xA000, s4;
	s18 =	sadd.s32 $0x400000, s31;
	[dreg:$0x4] =	wrdreg s17  }
0xb: {  	s14 =	sor.u32 $0xC000, s4;
	s19 =	sadd.s32 $0x600000, s31;
	[dreg:$0x5] =	wrdreg s18  }
0xc: {  	s4 =	sor.u32 $0xE000, s4;
	s20 =	sadd.s32 s3, s6;
	[dreg:$0x6] =	wrdreg s19  }
0xd: {  	s9 =	simm.s32 $0x1;
	s21 =	sadd.s32 s0, s6;
	[dreg:$0x7] =	wrdreg s20  }
0xe: {  	s22 =	sadd.s32 $0x202000, s31;
	s23 =	sadd.s32 $0x402000, s31;
	[dreg:$0x8] =	wrdreg s21  }
0xf: {  	s24 =	sadd.s32 $0x602000, s31;
	s26 =	sadd.s32 s3, s25;
	[dreg:$0x9] =	wrdreg s22  }
0x10: {  	s6 =	sadd.s32 s0, s25;
	s7 =	sadd.s32 $0x204000, s31;
	[dreg:$0xa] =	wrdreg s23  }
0x11: {  	s8 =	sadd.s32 $0x404000, s31;
	s10 =	sadd.s32 $0x604000, s31;
	[dreg:$0xb] =	wrdreg s24  }
0x12: {  	s30 =	sadd.s32 s3, s11;
	s25 =	sadd.s32 s0, s11;
	[dreg:$0xc] =	wrdreg s26  }
0x13: {  	s28 =	sadd.s32 $0x406000, s31;
	s29 =	sadd.s32 $0x606000, s31;
	[dreg:$0xd] =	wrdreg s6  }
0x14: {  	s15 =	sadd.s32 s0, s13;
	s16 =	sadd.s32 $0x20A000, s31;
	[dreg:$0xe] =	wrdreg s7  }
0x15: {  	s11 =	sadd.s32 $0x20C000, s31;
	s5 =	sadd.s32 s3, s4;
	[dreg:$0xf] =	wrdreg s8  }
0x16: {  	s1 =	smax.u32 s1, $0x1;
	s4 =	sadd.s32 s0, s4;
	[dreg:$0x10] =	wrdreg s10  }
0x17: {  	s26 =	sadd.s32 $0x206000, s31;
	s24 =	sadd.s32 s3, s12;
	s20 =	sadd.s32 s0, s12  }
0x18: {  	s21 =	sadd.s32 $0x208000, s31;
	s22 =	sadd.s32 $0x408000, s31;
	p1 =	sne.s32 s1, $0x1  }
.Ltmp0:
0x19: {  	s23 =	sadd.s32 $0x608000, s31;
	s19 =	sadd.s32 s3, s13;
	(pc) =	sbr.rel @!p1 .LBB2_3-.Ltmp0, $4  }
0x1a: {  	s17 =	sadd.s32 $0x40A000, s31;
	s18 =	sadd.s32 $0x60A000, s31;
	s12 =	sadd.s32 s3, s14  }
0x1b: {  	s10 =	sadd.s32 s0, s14;
	s13 =	sadd.s32 $0x40C000, s31;
	s0 =	sadd.s32 $0xFFFFFFFF, s1  }
0x1c: {  	s14 =	sadd.s32 $0x60C000, s31;
	s6 =	sadd.s32 $0x20E000, s31;
	s7 =	sadd.s32 $0x40E000, s31  }
0x1d: {  	s8 =	sadd.s32 $0x60E000, s31;
	s3 =	simm.s32 $0x2;
	s1 =	rddreg [dreg:$0x3]  }
0x1e: {  	[tilespmem:s2], [sflag:$0x1] =	stream.linear.gather [hbm4b:s1+s2], $0x10000, $0x38;
	[tilespmem:$0x10000] =	vst v63  }
0x1f: {  	_ =	swait.ge [sflag:s9], $0x10000  }
0x20: {  	[sflag:s9] =	ssyncset.done $0x0  }
0x21: {  	[dreg:$0x12] =	wrdreg s0;
	[sflag:s9] =	ssyncadd.s32 $0xFFFF0000  }
0x22: {  	[hbm4b:s31+s2] =	stream.linear.scatter [tilespmem:s2], [sflag:$0x2], $0x10000, $0x38;
	[tilespmem:$0x10000] =	vst v63  }
0x23: {  	s1 =	rddreg [dreg:$0x4]  }
0x24: {  	[hbm4b:s1+s2] =	stream.linear.scatter [tilespmem:s2], [sflag:$0x2], $0x10000, $0x38;
	[tilespmem:$0x10000] =	vst v63  }
0x25: {  	s0 =	rddreg [dreg:$0x5]  }
0x26: {  	[hbm4b:s0+s2] =	stream.linear.scatter [tilespmem:s2], [sflag:$0x2], $0x10000, $0x38;
	[tilespmem:$0x10000] =	vst v63  }
0x27: {  	s1 =	rddreg [dreg:$0x6]  }
0x28: {  	[hbm4b:s1+s2] =	stream.linear.scatter [tilespmem:s2], [sflag:$0x2], $0x10000, $0x38;
	[tilespmem:$0x10000] =	vst v63  }
0x29: {  	_ =	swait.ge [sflag:s3], $0x10000  }
0x2a: {  	[sflag:s3] =	ssyncset.done $0x0  }
0x2b: {  	[sflag:s3] =	ssyncadd.s32 $0xFFFF0000  }
0x2c: {  	_ =	swait.ge [sflag:s3], $0x10000  }
0x2d: {  	[sflag:s3] =	ssyncset.done $0x0  }
0x2e: {  	[sflag:s3] =	ssyncadd.s32 $0xFFFF0000  }
0x2f: {  	_ =	swait.ge [sflag:s3], $0x10000  }
0x30: {  	[sflag:s3] =	ssyncset.done $0x0  }
0x31: {  	[sflag:s3] =	ssyncadd.s32 $0xFFFF0000  }
0x32: {  	_ =	swait.ge [sflag:s3], $0x10000  }
0x33: {  	[sflag:s3] =	ssyncset.done $0x0  }
0x34: {  	s1 =	rddreg [dreg:$0x7];
	[sflag:s3] =	ssyncadd.s32 $0xFFFF0000  }
0x35: {  	[tilespmem:s2], [sflag:$0x1] =	stream.linear.gather [hbm4b:s1+s2], $0x10000, $0x38;
	[tilespmem:$0x10000] =	vst v63  }
0x36: {  	_ =	swait.ge [sflag:s9], $0x10000  }
0x37: {  	[sflag:s9] =	ssyncset.done $0x0  }
0x38: {  	s0 =	rddreg [dreg:$0x8];
	[sflag:s9] =	ssyncadd.s32 $0xFFFF0000  }
0x39: {  	[hbm4b:s0+s2] =	stream.linear.scatter [tilespmem:s2], [sflag:$0x2], $0x10000, $0x38;
	[tilespmem:$0x10000] =	vst v63  }
0x3a: {  	s1 =	rddreg [dreg:$0x9]  }
0x3b: {  	[hbm4b:s1+s2] =	stream.linear.scatter [tilespmem:s2], [sflag:$0x2], $0x10000, $0x38;
	[tilespmem:$0x10000] =	vst v63  }
0x3c: {  	s0 =	rddreg [dreg:$0xa]  }
0x3d: {  	[hbm4b:s0+s2] =	stream.linear.scatter [tilespmem:s2], [sflag:$0x2], $0x10000, $0x38;
	[tilespmem:$0x10000] =	vst v63  }
0x3e: {  	s1 =	rddreg [dreg:$0xb]  }
0x3f: {  	[hbm4b:s1+s2] =	stream.linear.scatter [tilespmem:s2], [sflag:$0x2], $0x10000, $0x38;
	[tilespmem:$0x10000] =	vst v63  }
0x40: {  	_ =	swait.ge [sflag:s3], $0x10000  }
0x41: {  	[sflag:s3] =	ssyncset.done $0x0  }
0x42: {  	[sflag:s3] =	ssyncadd.s32 $0xFFFF0000  }
0x43: {  	_ =	swait.ge [sflag:s3], $0x10000  }
0x44: {  	[sflag:s3] =	ssyncset.done $0x0  }
0x45: {  	[sflag:s3] =	ssyncadd.s32 $0xFFFF0000  }
0x46: {  	_ =	swait.ge [sflag:s3], $0x10000  }
0x47: {  	[sflag:s3] =	ssyncset.done $0x0  }
0x48: {  	[sflag:s3] =	ssyncadd.s32 $0xFFFF0000  }
0x49: {  	_ =	swait.ge [sflag:s3], $0x10000  }
0x4a: {  	[sflag:s3] =	ssyncset.done $0x0  }
0x4b: {  	s1 =	rddreg [dreg:$0xc];
	[sflag:s3] =	ssyncadd.s32 $0xFFFF0000  }
0x4c: {  	[tilespmem:s2], [sflag:$0x1] =	stream.linear.gather [hbm4b:s1+s2], $0x10000, $0x38;
	[tilespmem:$0x10000] =	vst v63  }
0x4d: {  	_ =	swait.ge [sflag:s9], $0x10000  }
0x4e: {  	[sflag:s9] =	ssyncset.done $0x0  }
0x4f: {  	s0 =	rddreg [dreg:$0xd];
	[sflag:s9] =	ssyncadd.s32 $0xFFFF0000  }
0x50: {  	[hbm4b:s0+s2] =	stream.linear.scatter [tilespmem:s2], [sflag:$0x2], $0x10000, $0x38;
	[tilespmem:$0x10000] =	vst v63  }
0x51: {  	s1 =	rddreg [dreg:$0xe]  }
0x52: {  	[hbm4b:s1+s2] =	stream.linear.scatter [tilespmem:s2], [sflag:$0x2], $0x10000, $0x38;
	[tilespmem:$0x10000] =	vst v63  }
0x53: {  	s0 =	rddreg [dreg:$0xf]  }
0x54: {  	[hbm4b:s0+s2] =	stream.linear.scatter [tilespmem:s2], [sflag:$0x2], $0x10000, $0x38;
	[tilespmem:$0x10000] =	vst v63  }
0x55: {  	s1 =	rddreg [dreg:$0x10]  }
0x56: {  	[hbm4b:s1+s2] =	stream.linear.scatter [tilespmem:s2], [sflag:$0x2], $0x10000, $0x38;
	[tilespmem:$0x10000] =	vst v63  }
0x57: {  	_ =	swait.ge [sflag:s3], $0x10000  }
0x58: {  	[sflag:s3] =	ssyncset.done $0x0  }
0x59: {  	[sflag:s3] =	ssyncadd.s32 $0xFFFF0000  }
0x5a: {  	_ =	swait.ge [sflag:s3], $0x10000  }
0x5b: {  	[sflag:s3] =	ssyncset.done $0x0  }
0x5c: {  	[sflag:s3] =	ssyncadd.s32 $0xFFFF0000  }
0x5d: {  	_ =	swait.ge [sflag:s3], $0x10000  }
0x5e: {  	[sflag:s3] =	ssyncset.done $0x0  }
0x5f: {  	[sflag:s3] =	ssyncadd.s32 $0xFFFF0000  }
0x60: {  	_ =	swait.ge [sflag:s3], $0x10000  }
0x61: {  	[sflag:s3] =	ssyncset.done $0x0  }
0x62: {  	[sflag:s3] =	ssyncadd.s32 $0xFFFF0000  }
0x63: {  	[tilespmem:s2], [sflag:$0x1] =	stream.linear.gather [hbm4b:s30+s2], $0x10000, $0x38;
	[tilespmem:$0x10000] =	vst v63  }
0x64: {  	_ =	swait.ge [sflag:s9], $0x10000  }
0x65: {  	[sflag:s9] =	ssyncset.done $0x0  }
0x66: {  	[sflag:s9] =	ssyncadd.s32 $0xFFFF0000  }
0x67: {  	[hbm4b:s25+s2] =	stream.linear.scatter [tilespmem:s2], [sflag:$0x2], $0x10000, $0x38;
	[tilespmem:$0x10000] =	vst v63  }
0x68: {  	_ = 	snop  }
0x69: {  	[hbm4b:s26+s2] =	stream.linear.scatter [tilespmem:s2], [sflag:$0x2], $0x10000, $0x38;
	[tilespmem:$0x10000] =	vst v63  }
0x6a: {  	_ = 	snop  }
0x6b: {  	[hbm4b:s28+s2] =	stream.linear.scatter [tilespmem:s2], [sflag:$0x2], $0x10000, $0x38;
	[tilespmem:$0x10000] =	vst v63  }
0x6c: {  	_ = 	snop  }
0x6d: {  	[hbm4b:s29+s2] =	stream.linear.scatter [tilespmem:s2], [sflag:$0x2], $0x10000, $0x38;
	[tilespmem:$0x10000] =	vst v63  }
0x6e: {  	_ =	swait.ge [sflag:s3], $0x10000  }
0x6f: {  	[sflag:s3] =	ssyncset.done $0x0  }
0x70: {  	[sflag:s3] =	ssyncadd.s32 $0xFFFF0000  }
0x71: {  	_ =	swait.ge [sflag:s3], $0x10000  }
0x72: {  	[sflag:s3] =	ssyncset.done $0x0  }
0x73: {  	[sflag:s3] =	ssyncadd.s32 $0xFFFF0000  }
0x74: {  	_ =	swait.ge [sflag:s3], $0x10000  }
0x75: {  	[sflag:s3] =	ssyncset.done $0x0  }
0x76: {  	[sflag:s3] =	ssyncadd.s32 $0xFFFF0000  }
0x77: {  	_ =	swait.ge [sflag:s3], $0x10000  }
0x78: {  	[sflag:s3] =	ssyncset.done $0x0  }
0x79: {  	[sflag:s3] =	ssyncadd.s32 $0xFFFF0000  }
0x7a: {  	[tilespmem:s2], [sflag:$0x1] =	stream.linear.gather [hbm4b:s24+s2], $0x10000, $0x38;
	[tilespmem:$0x10000] =	vst v63  }
0x7b: {  	_ =	swait.ge [sflag:s9], $0x10000  }
0x7c: {  	[sflag:s9] =	ssyncset.done $0x0  }
0x7d: {  	[sflag:s9] =	ssyncadd.s32 $0xFFFF0000  }
0x7e: {  	[hbm4b:s20+s2] =	stream.linear.scatter [tilespmem:s2], [sflag:$0x2], $0x10000, $0x38;
	[tilespmem:$0x10000] =	vst v63  }
0x7f: {  	_ = 	snop  }
0x80: {  	[hbm4b:s21+s2] =	stream.linear.scatter [tilespmem:s2], [sflag:$0x2], $0x10000, $0x38;
	[tilespmem:$0x10000] =	vst v63  }
0x81: {  	_ = 	snop  }
0x82: {  	[hbm4b:s22+s2] =	stream.linear.scatter [tilespmem:s2], [sflag:$0x2], $0x10000, $0x38;
	[tilespmem:$0x10000] =	vst v63  }
0x83: {  	_ = 	snop  }
0x84: {  	[hbm4b:s23+s2] =	stream.linear.scatter [tilespmem:s2], [sflag:$0x2], $0x10000, $0x38;
	[tilespmem:$0x10000] =	vst v63  }
0x85: {  	_ =	swait.ge [sflag:s3], $0x10000  }
0x86: {  	[sflag:s3] =	ssyncset.done $0x0  }
0x87: {  	[sflag:s3] =	ssyncadd.s32 $0xFFFF0000  }
0x88: {  	_ =	swait.ge [sflag:s3], $0x10000  }
0x89: {  	[sflag:s3] =	ssyncset.done $0x0  }
0x8a: {  	[sflag:s3] =	ssyncadd.s32 $0xFFFF0000  }
0x8b: {  	_ =	swait.ge [sflag:s3], $0x10000  }
0x8c: {  	[sflag:s3] =	ssyncset.done $0x0  }
0x8d: {  	[sflag:s3] =	ssyncadd.s32 $0xFFFF0000  }
0x8e: {  	_ =	swait.ge [sflag:s3], $0x10000  }
0x8f: {  	[sflag:s3] =	ssyncset.done $0x0  }
0x90: {  	[sflag:s3] =	ssyncadd.s32 $0xFFFF0000  }
0x91: {  	[tilespmem:s2], [sflag:$0x1] =	stream.linear.gather [hbm4b:s19+s2], $0x10000, $0x38;
	[tilespmem:$0x10000] =	vst v63  }
0x92: {  	_ =	swait.ge [sflag:s9], $0x10000  }
0x93: {  	[sflag:s9] =	ssyncset.done $0x0  }
0x94: {  	[sflag:s9] =	ssyncadd.s32 $0xFFFF0000  }
0x95: {  	[hbm4b:s15+s2] =	stream.linear.scatter [tilespmem:s2], [sflag:$0x2], $0x10000, $0x38;
	[tilespmem:$0x10000] =	vst v63  }
0x96: {  	_ = 	snop  }
0x97: {  	[hbm4b:s16+s2] =	stream.linear.scatter [tilespmem:s2], [sflag:$0x2], $0x10000, $0x38;
	[tilespmem:$0x10000] =	vst v63  }
0x98: {  	_ = 	snop  }
0x99: {  	[hbm4b:s17+s2] =	stream.linear.scatter [tilespmem:s2], [sflag:$0x2], $0x10000, $0x38;
	[tilespmem:$0x10000] =	vst v63  }
0x9a: {  	_ = 	snop  }
0x9b: {  	[hbm4b:s18+s2] =	stream.linear.scatter [tilespmem:s2], [sflag:$0x2], $0x10000, $0x38;
	[tilespmem:$0x10000] =	vst v63  }
0x9c: {  	_ =	swait.ge [sflag:s3], $0x10000  }
0x9d: {  	[sflag:s3] =	ssyncset.done $0x0  }
0x9e: {  	[sflag:s3] =	ssyncadd.s32 $0xFFFF0000  }
0x9f: {  	_ =	swait.ge [sflag:s3], $0x10000  }
0xa0: {  	[sflag:s3] =	ssyncset.done $0x0  }
0xa1: {  	[sflag:s3] =	ssyncadd.s32 $0xFFFF0000  }
0xa2: {  	_ =	swait.ge [sflag:s3], $0x10000  }
0xa3: {  	[sflag:s3] =	ssyncset.done $0x0  }
0xa4: {  	[sflag:s3] =	ssyncadd.s32 $0xFFFF0000  }
0xa5: {  	_ =	swait.ge [sflag:s3], $0x10000  }
0xa6: {  	[sflag:s3] =	ssyncset.done $0x0  }
0xa7: {  	[sflag:s3] =	ssyncadd.s32 $0xFFFF0000  }
0xa8: {  	[tilespmem:s2], [sflag:$0x1] =	stream.linear.gather [hbm4b:s12+s2], $0x10000, $0x38;
	[tilespmem:$0x10000] =	vst v63  }
0xa9: {  	_ =	swait.ge [sflag:s9], $0x10000  }
0xaa: {  	[sflag:s9] =	ssyncset.done $0x0  }
0xab: {  	[sflag:s9] =	ssyncadd.s32 $0xFFFF0000  }
0xac: {  	[hbm4b:s10+s2] =	stream.linear.scatter [tilespmem:s2], [sflag:$0x2], $0x10000, $0x38;
	[tilespmem:$0x10000] =	vst v63  }
0xad: {  	_ = 	snop  }
0xae: {  	[hbm4b:s11+s2] =	stream.linear.scatter [tilespmem:s2], [sflag:$0x2], $0x10000, $0x38;
	[tilespmem:$0x10000] =	vst v63  }
0xaf: {  	_ = 	snop  }
0xb0: {  	[hbm4b:s13+s2] =	stream.linear.scatter [tilespmem:s2], [sflag:$0x2], $0x10000, $0x38;
	[tilespmem:$0x10000] =	vst v63  }
0xb1: {  	_ = 	snop  }
0xb2: {  	[hbm4b:s14+s2] =	stream.linear.scatter [tilespmem:s2], [sflag:$0x2], $0x10000, $0x38;
	[tilespmem:$0x10000] =	vst v63  }
0xb3: {  	_ =	swait.ge [sflag:s3], $0x10000  }
0xb4: {  	[sflag:s3] =	ssyncset.done $0x0  }
0xb5: {  	[sflag:s3] =	ssyncadd.s32 $0xFFFF0000  }
0xb6: {  	_ =	swait.ge [sflag:s3], $0x10000  }
0xb7: {  	[sflag:s3] =	ssyncset.done $0x0  }
0xb8: {  	[sflag:s3] =	ssyncadd.s32 $0xFFFF0000  }
0xb9: {  	_ =	swait.ge [sflag:s3], $0x10000  }
0xba: {  	[sflag:s3] =	ssyncset.done $0x0  }
0xbb: {  	[sflag:s3] =	ssyncadd.s32 $0xFFFF0000  }
0xbc: {  	_ =	swait.ge [sflag:s3], $0x10000  }
0xbd: {  	[sflag:s3] =	ssyncset.done $0x0  }
0xbe: {  	[sflag:s3] =	ssyncadd.s32 $0xFFFF0000  }
0xbf: {  	[tilespmem:s2], [sflag:$0x1] =	stream.linear.gather [hbm4b:s5+s2], $0x10000, $0x38;
	[tilespmem:$0x10000] =	vst v63  }
0xc0: {  	_ =	swait.ge [sflag:s9], $0x10000  }
0xc1: {  	[sflag:s9] =	ssyncset.done $0x0  }
0xc2: {  	[sflag:s9] =	ssyncadd.s32 $0xFFFF0000  }
0xc3: {  	[hbm4b:s4+s2] =	stream.linear.scatter [tilespmem:s2], [sflag:$0x2], $0x10000, $0x38;
	[tilespmem:$0x10000] =	vst v63  }
0xc4: {  	_ = 	snop  }
0xc5: {  	[hbm4b:s6+s2] =	stream.linear.scatter [tilespmem:s2], [sflag:$0x2], $0x10000, $0x38;
	[tilespmem:$0x10000] =	vst v63  }
0xc6: {  	_ = 	snop  }
0xc7: {  	[hbm4b:s7+s2] =	stream.linear.scatter [tilespmem:s2], [sflag:$0x2], $0x10000, $0x38;
	[tilespmem:$0x10000] =	vst v63  }
0xc8: {  	_ = 	snop  }
0xc9: {  	[hbm4b:s8+s2] =	stream.linear.scatter [tilespmem:s2], [sflag:$0x2], $0x10000, $0x38;
	[tilespmem:$0x10000] =	vst v63  }
0xca: {  	_ =	swait.ge [sflag:s3], $0x10000  }
0xcb: {  	[sflag:s3] =	ssyncset.done $0x0  }
0xcc: {  	[sflag:s3] =	ssyncadd.s32 $0xFFFF0000  }
0xcd: {  	_ =	swait.ge [sflag:s3], $0x10000  }
0xce: {  	[sflag:s3] =	ssyncset.done $0x0  }
0xcf: {  	[sflag:s3] =	ssyncadd.s32 $0xFFFF0000  }
0xd0: {  	_ =	swait.ge [sflag:s3], $0x10000  }
0xd1: {  	s1 =	rddreg [dreg:$0x12]  }
0xd2: {  	p1 =	sne.s32 s1, $0x1  }
.Ltmp1:
0xd3: {  	_ = 	snop;
	(pc) =	sbr.rel @!p1 .LBB2_3-.Ltmp1, $4  }
0xd4: {  	[sflag:s3] =	ssyncset.done $0x0  }
0xd5: {  	[sflag:s3] =	ssyncadd.s32 $0xFFFF0000  }
0xd6: {  	p0 =	por $0x1, $0x1;
	_ =	swait.ge [sflag:s3], $0x10000;
	[dreg:$0x11] =	wrdreg s31  }
0xd7: {  	s0 =	sadd.s32 $0xFFFFFFFF, s1;
	s1 =	rddreg [dreg:$0x3];
	[sflag:s3] =	ssyncset.done $0x0  }
.LBB2_2:
0xd8: {  	[sflag:s3] =	ssyncadd.s32 $0xFFFF0000  }
0xd9: {  	[tilespmem:s2], [sflag:$0x1] =	stream.linear.gather [hbm4b:s1+s2], $0x10000, $0x38;
	[tilespmem:$0x10000] =	vst v63  }
0xda: {  	_ =	swait.ge [sflag:s9], $0x10000  }
0xdb: {  	[sflag:s9] =	ssyncset.done $0x0  }
0xdc: {  	[sflag:s9] =	ssyncadd.s32 $0xFFFF0000  }
0xdd: {  	[hbm4b:s31+s2] =	stream.linear.scatter [tilespmem:s2], [sflag:$0x2], $0x10000, $0x38;
	[tilespmem:$0x10000] =	vst v63  }
0xde: {  	s1 =	rddreg [dreg:$0x4];
	s31 =	smov.u32 s30;
	s30 =	smov.u32 s29  }
0xdf: {  	s29 =	smov.u32 s28;
	s28 =	smov.u32 s26;
	s26 =	smov.u32 s25  }
0xe0: {  	s25 =	smov.u32 s24;
	s24 =	smov.u32 s23;
	s23 =	smov.u32 s22  }
0xe1: {  	s22 =	smov.u32 s21;
	s21 =	smov.u32 s20;
	s20 =	smov.u32 s19  }
0xe2: {  	s19 =	smov.u32 s18;
	s18 =	smov.u32 s17;
	s17 =	smov.u32 s16  }
0xe3: {  	s16 =	smov.u32 s15;
	s15 =	smov.u32 s14;
	s14 =	smov.u32 s13  }
0xe4: {  	s13 =	smov.u32 s12;
	s12 =	smov.u32 s11;
	s11 =	smov.u32 s10  }
0xe5: {  	s10 =	smov.u32 s8;
	s8 =	smov.u32 s7;
	s7 =	smov.u32 s6  }
0xe6: {  	[hbm4b:s1+s2] =	stream.linear.scatter [tilespmem:s2], [sflag:$0x2], $0x10000, $0x38;
	[tilespmem:$0x10000] =	vst v63  }
0xe7: {  	s6 =	smov.u32 s5;
	s5 =	smov.u32 s4;
	s4 =	rddreg [dreg:$0x5]  }
0xe8: {  	[hbm4b:s4+s2] =	stream.linear.scatter [tilespmem:s2], [sflag:$0x2], $0x10000, $0x38;
	[tilespmem:$0x10000] =	vst v63  }
0xe9: {  	s1 =	rddreg [dreg:$0x6]  }
0xea: {  	[hbm4b:s1+s2] =	stream.linear.scatter [tilespmem:s2], [sflag:$0x2], $0x10000, $0x38;
	[tilespmem:$0x10000] =	vst v63  }
0xeb: {  	_ =	swait.ge [sflag:s3], $0x10000  }
0xec: {  	[sflag:s3] =	ssyncset.done $0x0  }
0xed: {  	[sflag:s3] =	ssyncadd.s32 $0xFFFF0000  }
0xee: {  	_ =	swait.ge [sflag:s3], $0x10000  }
0xef: {  	[sflag:s3] =	ssyncset.done $0x0  }
0xf0: {  	[sflag:s3] =	ssyncadd.s32 $0xFFFF0000  }
0xf1: {  	_ =	swait.ge [sflag:s3], $0x10000  }
0xf2: {  	[sflag:s3] =	ssyncset.done $0x0  }
0xf3: {  	[sflag:s3] =	ssyncadd.s32 $0xFFFF0000  }
0xf4: {  	_ =	swait.ge [sflag:s3], $0x10000  }
0xf5: {  	[sflag:s3] =	ssyncset.done $0x0  }
0xf6: {  	s4 =	rddreg [dreg:$0x7];
	[sflag:s3] =	ssyncadd.s32 $0xFFFF0000  }
0xf7: {  	[tilespmem:s2], [sflag:$0x1] =	stream.linear.gather [hbm4b:s4+s2], $0x10000, $0x38;
	[tilespmem:$0x10000] =	vst v63  }
0xf8: {  	_ =	swait.ge [sflag:s9], $0x10000  }
0xf9: {  	[sflag:s9] =	ssyncset.done $0x0  }
0xfa: {  	s1 =	rddreg [dreg:$0x8];
	[sflag:s9] =	ssyncadd.s32 $0xFFFF0000  }
0xfb: {  	[hbm4b:s1+s2] =	stream.linear.scatter [tilespmem:s2], [sflag:$0x2], $0x10000, $0x38;
	[tilespmem:$0x10000] =	vst v63  }
0xfc: {  	s4 =	rddreg [dreg:$0x9]  }
0xfd: {  	[hbm4b:s4+s2] =	stream.linear.scatter [tilespmem:s2], [sflag:$0x2], $0x10000, $0x38;
	[tilespmem:$0x10000] =	vst v63  }
0xfe: {  	s1 =	rddreg [dreg:$0xa]  }
0xff: {  	[hbm4b:s1+s2] =	stream.linear.scatter [tilespmem:s2], [sflag:$0x2], $0x10000, $0x38;
	[tilespmem:$0x10000] =	vst v63  }
0x100: {  	s4 =	rddreg [dreg:$0xb]  }
0x101: {  	[hbm4b:s4+s2] =	stream.linear.scatter [tilespmem:s2], [sflag:$0x2], $0x10000, $0x38;
	[tilespmem:$0x10000] =	vst v63  }
0x102: {  	_ =	swait.ge [sflag:s3], $0x10000  }
0x103: {  	[sflag:s3] =	ssyncset.done $0x0  }
0x104: {  	[sflag:s3] =	ssyncadd.s32 $0xFFFF0000  }
0x105: {  	_ =	swait.ge [sflag:s3], $0x10000  }
0x106: {  	[sflag:s3] =	ssyncset.done $0x0  }
0x107: {  	[sflag:s3] =	ssyncadd.s32 $0xFFFF0000  }
0x108: {  	_ =	swait.ge [sflag:s3], $0x10000  }
0x109: {  	[sflag:s3] =	ssyncset.done $0x0  }
0x10a: {  	[sflag:s3] =	ssyncadd.s32 $0xFFFF0000  }
0x10b: {  	_ =	swait.ge [sflag:s3], $0x10000  }
0x10c: {  	[sflag:s3] =	ssyncset.done $0x0  }
0x10d: {  	s4 =	rddreg [dreg:$0xc];
	[sflag:s3] =	ssyncadd.s32 $0xFFFF0000  }
0x10e: {  	[tilespmem:s2], [sflag:$0x1] =	stream.linear.gather [hbm4b:s4+s2], $0x10000, $0x38;
	[tilespmem:$0x10000] =	vst v63  }
0x10f: {  	_ =	swait.ge [sflag:s9], $0x10000  }
0x110: {  	[sflag:s9] =	ssyncset.done $0x0  }
0x111: {  	s1 =	rddreg [dreg:$0xd];
	[sflag:s9] =	ssyncadd.s32 $0xFFFF0000  }
0x112: {  	[hbm4b:s1+s2] =	stream.linear.scatter [tilespmem:s2], [sflag:$0x2], $0x10000, $0x38;
	[tilespmem:$0x10000] =	vst v63  }
0x113: {  	s4 =	rddreg [dreg:$0xe]  }
0x114: {  	[hbm4b:s4+s2] =	stream.linear.scatter [tilespmem:s2], [sflag:$0x2], $0x10000, $0x38;
	[tilespmem:$0x10000] =	vst v63  }
0x115: {  	s1 =	rddreg [dreg:$0xf]  }
0x116: {  	[hbm4b:s1+s2] =	stream.linear.scatter [tilespmem:s2], [sflag:$0x2], $0x10000, $0x38;
	[tilespmem:$0x10000] =	vst v63  }
0x117: {  	s4 =	rddreg [dreg:$0x10]  }
0x118: {  	[hbm4b:s4+s2] =	stream.linear.scatter [tilespmem:s2], [sflag:$0x2], $0x10000, $0x38;
	[tilespmem:$0x10000] =	vst v63  }
0x119: {  	s4 =	smov.u32 s5;
	s5 =	smov.u32 s6;
	s6 =	smov.u32 s7  }
0x11a: {  	s7 =	smov.u32 s8;
	s8 =	smov.u32 s10;
	s10 =	smov.u32 s11  }
0x11b: {  	s11 =	smov.u32 s12;
	s12 =	smov.u32 s13;
	s13 =	smov.u32 s14  }
0x11c: {  	s14 =	smov.u32 s15;
	s15 =	smov.u32 s16;
	s16 =	smov.u32 s17  }
0x11d: {  	s17 =	smov.u32 s18;
	s18 =	smov.u32 s19;
	s19 =	smov.u32 s20  }
0x11e: {  	s20 =	smov.u32 s21;
	s21 =	smov.u32 s22;
	s22 =	smov.u32 s23  }
0x11f: {  	s23 =	smov.u32 s24;
	s24 =	smov.u32 s25;
	s25 =	smov.u32 s26  }
0x120: {  	s26 =	smov.u32 s28;
	s28 =	smov.u32 s29;
	s29 =	smov.u32 s30  }
0x121: {  	s30 =	smov.u32 s31;
	s31 =	rddreg [dreg:$0x11];
	_ =	swait.ge [sflag:s3], $0x10000  }
0x122: {  	[sflag:s3] =	ssyncset.done $0x0  }
0x123: {  	[sflag:s3] =	ssyncadd.s32 $0xFFFF0000  }
0x124: {  	_ =	swait.ge [sflag:s3], $0x10000  }
0x125: {  	[sflag:s3] =	ssyncset.done $0x0  }
0x126: {  	[sflag:s3] =	ssyncadd.s32 $0xFFFF0000  }
0x127: {  	_ =	swait.ge [sflag:s3], $0x10000  }
0x128: {  	[sflag:s3] =	ssyncset.done $0x0  }
0x129: {  	[sflag:s3] =	ssyncadd.s32 $0xFFFF0000  }
0x12a: {  	_ =	swait.ge [sflag:s3], $0x10000  }
0x12b: {  	[sflag:s3] =	ssyncset.done $0x0  }
0x12c: {  	[sflag:s3] =	ssyncadd.s32 $0xFFFF0000  }
0x12d: {  	[tilespmem:s2], [sflag:$0x1] =	stream.linear.gather [hbm4b:s30+s2], $0x10000, $0x38;
	[tilespmem:$0x10000] =	vst v63  }
0x12e: {  	_ =	swait.ge [sflag:s9], $0x10000  }
0x12f: {  	[sflag:s9] =	ssyncset.done $0x0  }
0x130: {  	[sflag:s9] =	ssyncadd.s32 $0xFFFF0000  }
0x131: {  	[hbm4b:s25+s2] =	stream.linear.scatter [tilespmem:s2], [sflag:$0x2], $0x10000, $0x38;
	[tilespmem:$0x10000] =	vst v63  }
0x132: {  	_ = 	snop  }
0x133: {  	[hbm4b:s26+s2] =	stream.linear.scatter [tilespmem:s2], [sflag:$0x2], $0x10000, $0x38;
	[tilespmem:$0x10000] =	vst v63  }
0x134: {  	_ = 	snop  }
0x135: {  	[hbm4b:s28+s2] =	stream.linear.scatter [tilespmem:s2], [sflag:$0x2], $0x10000, $0x38;
	[tilespmem:$0x10000] =	vst v63  }
0x136: {  	_ = 	snop  }
0x137: {  	[hbm4b:s29+s2] =	stream.linear.scatter [tilespmem:s2], [sflag:$0x2], $0x10000, $0x38;
	[tilespmem:$0x10000] =	vst v63  }
0x138: {  	_ =	swait.ge [sflag:s3], $0x10000  }
0x139: {  	[sflag:s3] =	ssyncset.done $0x0  }
0x13a: {  	[sflag:s3] =	ssyncadd.s32 $0xFFFF0000  }
0x13b: {  	_ =	swait.ge [sflag:s3], $0x10000  }
0x13c: {  	[sflag:s3] =	ssyncset.done $0x0  }
0x13d: {  	[sflag:s3] =	ssyncadd.s32 $0xFFFF0000  }
0x13e: {  	_ =	swait.ge [sflag:s3], $0x10000  }
0x13f: {  	[sflag:s3] =	ssyncset.done $0x0  }
0x140: {  	[sflag:s3] =	ssyncadd.s32 $0xFFFF0000  }
0x141: {  	_ =	swait.ge [sflag:s3], $0x10000  }
0x142: {  	[sflag:s3] =	ssyncset.done $0x0  }
0x143: {  	[sflag:s3] =	ssyncadd.s32 $0xFFFF0000  }
0x144: {  	[tilespmem:s2], [sflag:$0x1] =	stream.linear.gather [hbm4b:s24+s2], $0x10000, $0x38;
	[tilespmem:$0x10000] =	vst v63  }
0x145: {  	_ =	swait.ge [sflag:s9], $0x10000  }
0x146: {  	[sflag:s9] =	ssyncset.done $0x0  }
0x147: {  	[sflag:s9] =	ssyncadd.s32 $0xFFFF0000  }
0x148: {  	[hbm4b:s20+s2] =	stream.linear.scatter [tilespmem:s2], [sflag:$0x2], $0x10000, $0x38;
	[tilespmem:$0x10000] =	vst v63  }
0x149: {  	_ = 	snop  }
0x14a: {  	[hbm4b:s21+s2] =	stream.linear.scatter [tilespmem:s2], [sflag:$0x2], $0x10000, $0x38;
	[tilespmem:$0x10000] =	vst v63  }
0x14b: {  	_ = 	snop  }
0x14c: {  	[hbm4b:s22+s2] =	stream.linear.scatter [tilespmem:s2], [sflag:$0x2], $0x10000, $0x38;
	[tilespmem:$0x10000] =	vst v63  }
0x14d: {  	_ = 	snop  }
0x14e: {  	[hbm4b:s23+s2] =	stream.linear.scatter [tilespmem:s2], [sflag:$0x2], $0x10000, $0x38;
	[tilespmem:$0x10000] =	vst v63  }
0x14f: {  	_ =	swait.ge [sflag:s3], $0x10000  }
0x150: {  	[sflag:s3] =	ssyncset.done $0x0  }
0x151: {  	[sflag:s3] =	ssyncadd.s32 $0xFFFF0000  }
0x152: {  	_ =	swait.ge [sflag:s3], $0x10000  }
0x153: {  	[sflag:s3] =	ssyncset.done $0x0  }
0x154: {  	[sflag:s3] =	ssyncadd.s32 $0xFFFF0000  }
0x155: {  	_ =	swait.ge [sflag:s3], $0x10000  }
0x156: {  	[sflag:s3] =	ssyncset.done $0x0  }
0x157: {  	[sflag:s3] =	ssyncadd.s32 $0xFFFF0000  }
0x158: {  	_ =	swait.ge [sflag:s3], $0x10000  }
0x159: {  	[sflag:s3] =	ssyncset.done $0x0  }
0x15a: {  	[sflag:s3] =	ssyncadd.s32 $0xFFFF0000  }
0x15b: {  	[tilespmem:s2], [sflag:$0x1] =	stream.linear.gather [hbm4b:s19+s2], $0x10000, $0x38;
	[tilespmem:$0x10000] =	vst v63  }
0x15c: {  	_ =	swait.ge [sflag:s9], $0x10000  }
0x15d: {  	[sflag:s9] =	ssyncset.done $0x0  }
0x15e: {  	[sflag:s9] =	ssyncadd.s32 $0xFFFF0000  }
0x15f: {  	[hbm4b:s15+s2] =	stream.linear.scatter [tilespmem:s2], [sflag:$0x2], $0x10000, $0x38;
	[tilespmem:$0x10000] =	vst v63  }
0x160: {  	_ = 	snop  }
0x161: {  	[hbm4b:s16+s2] =	stream.linear.scatter [tilespmem:s2], [sflag:$0x2], $0x10000, $0x38;
	[tilespmem:$0x10000] =	vst v63  }
0x162: {  	_ = 	snop  }
0x163: {  	[hbm4b:s17+s2] =	stream.linear.scatter [tilespmem:s2], [sflag:$0x2], $0x10000, $0x38;
	[tilespmem:$0x10000] =	vst v63  }
0x164: {  	_ = 	snop  }
0x165: {  	[hbm4b:s18+s2] =	stream.linear.scatter [tilespmem:s2], [sflag:$0x2], $0x10000, $0x38;
	[tilespmem:$0x10000] =	vst v63  }
0x166: {  	_ =	swait.ge [sflag:s3], $0x10000  }
0x167: {  	[sflag:s3] =	ssyncset.done $0x0  }
0x168: {  	[sflag:s3] =	ssyncadd.s32 $0xFFFF0000  }
0x169: {  	_ =	swait.ge [sflag:s3], $0x10000  }
0x16a: {  	[sflag:s3] =	ssyncset.done $0x0  }
0x16b: {  	[sflag:s3] =	ssyncadd.s32 $0xFFFF0000  }
0x16c: {  	_ =	swait.ge [sflag:s3], $0x10000  }
0x16d: {  	[sflag:s3] =	ssyncset.done $0x0  }
0x16e: {  	[sflag:s3] =	ssyncadd.s32 $0xFFFF0000  }
0x16f: {  	_ =	swait.ge [sflag:s3], $0x10000  }
0x170: {  	[sflag:s3] =	ssyncset.done $0x0  }
0x171: {  	[sflag:s3] =	ssyncadd.s32 $0xFFFF0000  }
0x172: {  	[tilespmem:s2], [sflag:$0x1] =	stream.linear.gather [hbm4b:s12+s2], $0x10000, $0x38;
	[tilespmem:$0x10000] =	vst v63  }
0x173: {  	_ =	swait.ge [sflag:s9], $0x10000  }
0x174: {  	[sflag:s9] =	ssyncset.done $0x0  }
0x175: {  	[sflag:s9] =	ssyncadd.s32 $0xFFFF0000  }
0x176: {  	[hbm4b:s10+s2] =	stream.linear.scatter [tilespmem:s2], [sflag:$0x2], $0x10000, $0x38;
	[tilespmem:$0x10000] =	vst v63  }
0x177: {  	_ = 	snop  }
0x178: {  	[hbm4b:s11+s2] =	stream.linear.scatter [tilespmem:s2], [sflag:$0x2], $0x10000, $0x38;
	[tilespmem:$0x10000] =	vst v63  }
0x179: {  	_ = 	snop  }
0x17a: {  	[hbm4b:s13+s2] =	stream.linear.scatter [tilespmem:s2], [sflag:$0x2], $0x10000, $0x38;
	[tilespmem:$0x10000] =	vst v63  }
0x17b: {  	_ = 	snop  }
0x17c: {  	[hbm4b:s14+s2] =	stream.linear.scatter [tilespmem:s2], [sflag:$0x2], $0x10000, $0x38;
	[tilespmem:$0x10000] =	vst v63  }
0x17d: {  	_ =	swait.ge [sflag:s3], $0x10000  }
0x17e: {  	[sflag:s3] =	ssyncset.done $0x0  }
0x17f: {  	[sflag:s3] =	ssyncadd.s32 $0xFFFF0000  }
0x180: {  	_ =	swait.ge [sflag:s3], $0x10000  }
0x181: {  	[sflag:s3] =	ssyncset.done $0x0  }
0x182: {  	[sflag:s3] =	ssyncadd.s32 $0xFFFF0000  }
0x183: {  	_ =	swait.ge [sflag:s3], $0x10000  }
0x184: {  	[sflag:s3] =	ssyncset.done $0x0  }
0x185: {  	[sflag:s3] =	ssyncadd.s32 $0xFFFF0000  }
0x186: {  	_ =	swait.ge [sflag:s3], $0x10000  }
0x187: {  	[sflag:s3] =	ssyncset.done $0x0  }
0x188: {  	[sflag:s3] =	ssyncadd.s32 $0xFFFF0000  }
0x189: {  	[tilespmem:s2], [sflag:$0x1] =	stream.linear.gather [hbm4b:s5+s2], $0x10000, $0x38;
	[tilespmem:$0x10000] =	vst v63  }
0x18a: {  	_ =	swait.ge [sflag:s9], $0x10000  }
0x18b: {  	[sflag:s9] =	ssyncset.done $0x0  }
0x18c: {  	[sflag:s9] =	ssyncadd.s32 $0xFFFF0000  }
0x18d: {  	[hbm4b:s4+s2] =	stream.linear.scatter [tilespmem:s2], [sflag:$0x2], $0x10000, $0x38;
	[tilespmem:$0x10000] =	vst v63  }
0x18e: {  	_ = 	snop  }
0x18f: {  	[hbm4b:s6+s2] =	stream.linear.scatter [tilespmem:s2], [sflag:$0x2], $0x10000, $0x38;
	[tilespmem:$0x10000] =	vst v63  }
0x190: {  	_ = 	snop  }
0x191: {  	[hbm4b:s7+s2] =	stream.linear.scatter [tilespmem:s2], [sflag:$0x2], $0x10000, $0x38;
	[tilespmem:$0x10000] =	vst v63  }
0x192: {  	_ = 	snop  }
0x193: {  	[hbm4b:s8+s2] =	stream.linear.scatter [tilespmem:s2], [sflag:$0x2], $0x10000, $0x38;
	[tilespmem:$0x10000] =	vst v63  }
0x194: {  	_ =	swait.ge [sflag:s3], $0x10000  }
0x195: {  	[sflag:s3] =	ssyncset.done $0x0  }
0x196: {  	[sflag:s3] =	ssyncadd.s32 $0xFFFF0000  }
0x197: {  	_ =	swait.ge [sflag:s3], $0x10000  }
0x198: {  	[sflag:s3] =	ssyncset.done $0x0  }
0x199: {  	p1 =	sne.s32 s0, $0x1;
	[sflag:s3] =	ssyncadd.s32 $0xFFFF0000  }
.Ltmp2:
0x19a: {  	_ =	swait.ge [sflag:s3], $0x10000;
	(pc) =	sbr.rel @p1 .LBB2_2-.Ltmp2, $4  }
0x19b: {  	[sflag:s3] =	ssyncset.done $0x0  }
0x19c: {  	[sflag:s3] =	ssyncadd.s32 $0xFFFF0000  }
0x19d: {  	_ =	swait.ge [sflag:s3], $0x10000  }
0x19e: {  	s0 =	sadd.s32 $0xFFFFFFFF, s0;
	s1 =	rddreg [dreg:$0x3];
	[sflag:s3] =	ssyncset.done $0x0  }
.LBB2_3:
0x19f: {  	[sflag:s3] =	ssyncadd.s32 @p0 $0xFFFF0000  }
0x1a0: {  	[tilespmem:s2], [sflag:$0x1] =	stream.linear.gather [hbm4b:s1+s2], $0x10000, $0x38;
	[tilespmem:$0x10000] =	vst v63  }
0x1a1: {  	_ =	swait.ge [sflag:s9], $0x10000  }
0x1a2: {  	[sflag:s9] =	ssyncset.done $0x0  }
0x1a3: {  	[sflag:s9] =	ssyncadd.s32 $0xFFFF0000  }
0x1a4: {  	[hbm4b:s31+s2] =	stream.linear.scatter [tilespmem:s2], [sflag:$0x2], $0x10000, $0x38;
	[tilespmem:$0x10000] =	vst v63  }
0x1a5: {  	s0 =	rddreg [dreg:$0x4]  }
0x1a6: {  	[hbm4b:s0+s2] =	stream.linear.scatter [tilespmem:s2], [sflag:$0x2], $0x10000, $0x38;
	[tilespmem:$0x10000] =	vst v63  }
0x1a7: {  	s1 =	rddreg [dreg:$0x5]  }
0x1a8: {  	[hbm4b:s1+s2] =	stream.linear.scatter [tilespmem:s2], [sflag:$0x2], $0x10000, $0x38;
	[tilespmem:$0x10000] =	vst v63  }
0x1a9: {  	s31 =	rddreg [dreg:$0x6]  }
0x1aa: {  	[hbm4b:s31+s2] =	stream.linear.scatter [tilespmem:s2], [sflag:$0x2], $0x10000, $0x38;
	[tilespmem:$0x10000] =	vst v63  }
0x1ab: {  	_ =	swait.ge [sflag:s3], $0x10000  }
0x1ac: {  	[sflag:s3] =	ssyncset.done $0x0  }
0x1ad: {  	[sflag:s3] =	ssyncadd.s32 $0xFFFF0000  }
0x1ae: {  	_ =	swait.ge [sflag:s3], $0x10000  }
0x1af: {  	[sflag:s3] =	ssyncset.done $0x0  }
0x1b0: {  	[sflag:s3] =	ssyncadd.s32 $0xFFFF0000  }
0x1b1: {  	_ =	swait.ge [sflag:s3], $0x10000  }
0x1b2: {  	[sflag:s3] =	ssyncset.done $0x0  }
0x1b3: {  	[sflag:s3] =	ssyncadd.s32 $0xFFFF0000  }
0x1b4: {  	_ =	swait.ge [sflag:s3], $0x10000  }
0x1b5: {  	[sflag:s3] =	ssyncset.done $0x0  }
0x1b6: {  	s31 =	rddreg [dreg:$0x7];
	[sflag:s3] =	ssyncadd.s32 $0xFFFF0000  }
0x1b7: {  	[tilespmem:s2], [sflag:$0x1] =	stream.linear.gather [hbm4b:s31+s2], $0x10000, $0x38;
	[tilespmem:$0x10000] =	vst v63  }
0x1b8: {  	_ =	swait.ge [sflag:s9], $0x10000  }
0x1b9: {  	[sflag:s9] =	ssyncset.done $0x0  }
0x1ba: {  	s1 =	rddreg [dreg:$0x8];
	[sflag:s9] =	ssyncadd.s32 $0xFFFF0000  }
0x1bb: {  	[hbm4b:s1+s2] =	stream.linear.scatter [tilespmem:s2], [sflag:$0x2], $0x10000, $0x38;
	[tilespmem:$0x10000] =	vst v63  }
0x1bc: {  	s31 =	rddreg [dreg:$0x9]  }
0x1bd: {  	[hbm4b:s31+s2] =	stream.linear.scatter [tilespmem:s2], [sflag:$0x2], $0x10000, $0x38;
	[tilespmem:$0x10000] =	vst v63  }
0x1be: {  	s0 =	rddreg [dreg:$0xa]  }
0x1bf: {  	[hbm4b:s0+s2] =	stream.linear.scatter [tilespmem:s2], [sflag:$0x2], $0x10000, $0x38;
	[tilespmem:$0x10000] =	vst v63  }
0x1c0: {  	s31 =	rddreg [dreg:$0xb]  }
0x1c1: {  	[hbm4b:s31+s2] =	stream.linear.scatter [tilespmem:s2], [sflag:$0x2], $0x10000, $0x38;
	[tilespmem:$0x10000] =	vst v63  }
0x1c2: {  	_ =	swait.ge [sflag:s3], $0x10000  }
0x1c3: {  	[sflag:s3] =	ssyncset.done $0x0  }
0x1c4: {  	[sflag:s3] =	ssyncadd.s32 $0xFFFF0000  }
0x1c5: {  	_ =	swait.ge [sflag:s3], $0x10000  }
0x1c6: {  	[sflag:s3] =	ssyncset.done $0x0  }
0x1c7: {  	[sflag:s3] =	ssyncadd.s32 $0xFFFF0000  }
0x1c8: {  	_ =	swait.ge [sflag:s3], $0x10000  }
0x1c9: {  	[sflag:s3] =	ssyncset.done $0x0  }
0x1ca: {  	[sflag:s3] =	ssyncadd.s32 $0xFFFF0000  }
0x1cb: {  	_ =	swait.ge [sflag:s3], $0x10000  }
0x1cc: {  	[sflag:s3] =	ssyncset.done $0x0  }
0x1cd: {  	s31 =	rddreg [dreg:$0xc];
	[sflag:s3] =	ssyncadd.s32 $0xFFFF0000  }
0x1ce: {  	[tilespmem:s2], [sflag:$0x1] =	stream.linear.gather [hbm4b:s31+s2], $0x10000, $0x38;
	[tilespmem:$0x10000] =	vst v63  }
0x1cf: {  	_ =	swait.ge [sflag:s9], $0x10000  }
0x1d0: {  	[sflag:s9] =	ssyncset.done $0x0  }
0x1d1: {  	s1 =	rddreg [dreg:$0xd];
	[sflag:s9] =	ssyncadd.s32 $0xFFFF0000  }
0x1d2: {  	[hbm4b:s1+s2] =	stream.linear.scatter [tilespmem:s2], [sflag:$0x2], $0x10000, $0x38;
	[tilespmem:$0x10000] =	vst v63  }
0x1d3: {  	s31 =	rddreg [dreg:$0xe]  }
0x1d4: {  	[hbm4b:s31+s2] =	stream.linear.scatter [tilespmem:s2], [sflag:$0x2], $0x10000, $0x38;
	[tilespmem:$0x10000] =	vst v63  }
0x1d5: {  	s0 =	rddreg [dreg:$0xf]  }
0x1d6: {  	[hbm4b:s0+s2] =	stream.linear.scatter [tilespmem:s2], [sflag:$0x2], $0x10000, $0x38;
	[tilespmem:$0x10000] =	vst v63  }
0x1d7: {  	s31 =	rddreg [dreg:$0x10]  }
0x1d8: {  	[hbm4b:s31+s2] =	stream.linear.scatter [tilespmem:s2], [sflag:$0x2], $0x10000, $0x38;
	[tilespmem:$0x10000] =	vst v63  }
0x1d9: {  	_ =	swait.ge [sflag:s3], $0x10000  }
0x1da: {  	[sflag:s3] =	ssyncset.done $0x0  }
0x1db: {  	[sflag:s3] =	ssyncadd.s32 $0xFFFF0000  }
0x1dc: {  	_ =	swait.ge [sflag:s3], $0x10000  }
0x1dd: {  	[sflag:s3] =	ssyncset.done $0x0  }
0x1de: {  	[sflag:s3] =	ssyncadd.s32 $0xFFFF0000  }
0x1df: {  	_ =	swait.ge [sflag:s3], $0x10000  }
0x1e0: {  	[sflag:s3] =	ssyncset.done $0x0  }
0x1e1: {  	[sflag:s3] =	ssyncadd.s32 $0xFFFF0000  }
0x1e2: {  	_ =	swait.ge [sflag:s3], $0x10000  }
0x1e3: {  	[sflag:s3] =	ssyncset.done $0x0  }
0x1e4: {  	[sflag:s3] =	ssyncadd.s32 $0xFFFF0000  }
0x1e5: {  	[tilespmem:s2], [sflag:$0x1] =	stream.linear.gather [hbm4b:s30+s2], $0x10000, $0x38;
	[tilespmem:$0x10000] =	vst v63  }
0x1e6: {  	_ =	swait.ge [sflag:s9], $0x10000  }
0x1e7: {  	[sflag:s9] =	ssyncset.done $0x0  }
0x1e8: {  	[sflag:s9] =	ssyncadd.s32 $0xFFFF0000  }
0x1e9: {  	[hbm4b:s25+s2] =	stream.linear.scatter [tilespmem:s2], [sflag:$0x2], $0x10000, $0x38;
	[tilespmem:$0x10000] =	vst v63  }
0x1ea: {  	_ = 	snop  }
0x1eb: {  	[hbm4b:s26+s2] =	stream.linear.scatter [tilespmem:s2], [sflag:$0x2], $0x10000, $0x38;
	[tilespmem:$0x10000] =	vst v63  }
0x1ec: {  	_ = 	snop  }
0x1ed: {  	[hbm4b:s28+s2] =	stream.linear.scatter [tilespmem:s2], [sflag:$0x2], $0x10000, $0x38;
	[tilespmem:$0x10000] =	vst v63  }
0x1ee: {  	_ = 	snop  }
0x1ef: {  	[hbm4b:s29+s2] =	stream.linear.scatter [tilespmem:s2], [sflag:$0x2], $0x10000, $0x38;
	[tilespmem:$0x10000] =	vst v63  }
0x1f0: {  	_ =	swait.ge [sflag:s3], $0x10000  }
0x1f1: {  	[sflag:s3] =	ssyncset.done $0x0  }
0x1f2: {  	[sflag:s3] =	ssyncadd.s32 $0xFFFF0000  }
0x1f3: {  	_ =	swait.ge [sflag:s3], $0x10000  }
0x1f4: {  	[sflag:s3] =	ssyncset.done $0x0  }
0x1f5: {  	[sflag:s3] =	ssyncadd.s32 $0xFFFF0000  }
0x1f6: {  	_ =	swait.ge [sflag:s3], $0x10000  }
0x1f7: {  	[sflag:s3] =	ssyncset.done $0x0  }
0x1f8: {  	[sflag:s3] =	ssyncadd.s32 $0xFFFF0000  }
0x1f9: {  	_ =	swait.ge [sflag:s3], $0x10000  }
0x1fa: {  	[sflag:s3] =	ssyncset.done $0x0  }
0x1fb: {  	[sflag:s3] =	ssyncadd.s32 $0xFFFF0000  }
0x1fc: {  	[tilespmem:s2], [sflag:$0x1] =	stream.linear.gather [hbm4b:s24+s2], $0x10000, $0x38;
	[tilespmem:$0x10000] =	vst v63  }
0x1fd: {  	_ =	swait.ge [sflag:s9], $0x10000  }
0x1fe: {  	[sflag:s9] =	ssyncset.done $0x0  }
0x1ff: {  	[sflag:s9] =	ssyncadd.s32 $0xFFFF0000  }
0x200: {  	[hbm4b:s20+s2] =	stream.linear.scatter [tilespmem:s2], [sflag:$0x2], $0x10000, $0x38;
	[tilespmem:$0x10000] =	vst v63  }
0x201: {  	_ = 	snop  }
0x202: {  	[hbm4b:s21+s2] =	stream.linear.scatter [tilespmem:s2], [sflag:$0x2], $0x10000, $0x38;
	[tilespmem:$0x10000] =	vst v63  }
0x203: {  	_ = 	snop  }
0x204: {  	[hbm4b:s22+s2] =	stream.linear.scatter [tilespmem:s2], [sflag:$0x2], $0x10000, $0x38;
	[tilespmem:$0x10000] =	vst v63  }
0x205: {  	_ = 	snop  }
0x206: {  	[hbm4b:s23+s2] =	stream.linear.scatter [tilespmem:s2], [sflag:$0x2], $0x10000, $0x38;
	[tilespmem:$0x10000] =	vst v63  }
0x207: {  	_ =	swait.ge [sflag:s3], $0x10000  }
0x208: {  	[sflag:s3] =	ssyncset.done $0x0  }
0x209: {  	[sflag:s3] =	ssyncadd.s32 $0xFFFF0000  }
0x20a: {  	_ =	swait.ge [sflag:s3], $0x10000  }
0x20b: {  	[sflag:s3] =	ssyncset.done $0x0  }
0x20c: {  	[sflag:s3] =	ssyncadd.s32 $0xFFFF0000  }
0x20d: {  	_ =	swait.ge [sflag:s3], $0x10000  }
0x20e: {  	[sflag:s3] =	ssyncset.done $0x0  }
0x20f: {  	[sflag:s3] =	ssyncadd.s32 $0xFFFF0000  }
0x210: {  	_ =	swait.ge [sflag:s3], $0x10000  }
0x211: {  	[sflag:s3] =	ssyncset.done $0x0  }
0x212: {  	[sflag:s3] =	ssyncadd.s32 $0xFFFF0000  }
0x213: {  	[tilespmem:s2], [sflag:$0x1] =	stream.linear.gather [hbm4b:s19+s2], $0x10000, $0x38;
	[tilespmem:$0x10000] =	vst v63  }
0x214: {  	_ =	swait.ge [sflag:s9], $0x10000  }
0x215: {  	[sflag:s9] =	ssyncset.done $0x0  }
0x216: {  	[sflag:s9] =	ssyncadd.s32 $0xFFFF0000  }
0x217: {  	[hbm4b:s15+s2] =	stream.linear.scatter [tilespmem:s2], [sflag:$0x2], $0x10000, $0x38;
	[tilespmem:$0x10000] =	vst v63  }
0x218: {  	_ = 	snop  }
0x219: {  	[hbm4b:s16+s2] =	stream.linear.scatter [tilespmem:s2], [sflag:$0x2], $0x10000, $0x38;
	[tilespmem:$0x10000] =	vst v63  }
0x21a: {  	_ = 	snop  }
0x21b: {  	[hbm4b:s17+s2] =	stream.linear.scatter [tilespmem:s2], [sflag:$0x2], $0x10000, $0x38;
	[tilespmem:$0x10000] =	vst v63  }
0x21c: {  	_ = 	snop  }
0x21d: {  	[hbm4b:s18+s2] =	stream.linear.scatter [tilespmem:s2], [sflag:$0x2], $0x10000, $0x38;
	[tilespmem:$0x10000] =	vst v63  }
0x21e: {  	_ =	swait.ge [sflag:s3], $0x10000  }
0x21f: {  	[sflag:s3] =	ssyncset.done $0x0  }
0x220: {  	[sflag:s3] =	ssyncadd.s32 $0xFFFF0000  }
0x221: {  	_ =	swait.ge [sflag:s3], $0x10000  }
0x222: {  	[sflag:s3] =	ssyncset.done $0x0  }
0x223: {  	[sflag:s3] =	ssyncadd.s32 $0xFFFF0000  }
0x224: {  	_ =	swait.ge [sflag:s3], $0x10000  }
0x225: {  	[sflag:s3] =	ssyncset.done $0x0  }
0x226: {  	[sflag:s3] =	ssyncadd.s32 $0xFFFF0000  }
0x227: {  	_ =	swait.ge [sflag:s3], $0x10000  }
0x228: {  	[sflag:s3] =	ssyncset.done $0x0  }
0x229: {  	[sflag:s3] =	ssyncadd.s32 $0xFFFF0000  }
0x22a: {  	[tilespmem:s2], [sflag:$0x1] =	stream.linear.gather [hbm4b:s12+s2], $0x10000, $0x38;
	[tilespmem:$0x10000] =	vst v63  }
0x22b: {  	_ =	swait.ge [sflag:s9], $0x10000  }
0x22c: {  	[sflag:s9] =	ssyncset.done $0x0  }
0x22d: {  	[sflag:s9] =	ssyncadd.s32 $0xFFFF0000  }
0x22e: {  	[hbm4b:s10+s2] =	stream.linear.scatter [tilespmem:s2], [sflag:$0x2], $0x10000, $0x38;
	[tilespmem:$0x10000] =	vst v63  }
0x22f: {  	_ = 	snop  }
0x230: {  	[hbm4b:s11+s2] =	stream.linear.scatter [tilespmem:s2], [sflag:$0x2], $0x10000, $0x38;
	[tilespmem:$0x10000] =	vst v63  }
0x231: {  	_ = 	snop  }
0x232: {  	[hbm4b:s13+s2] =	stream.linear.scatter [tilespmem:s2], [sflag:$0x2], $0x10000, $0x38;
	[tilespmem:$0x10000] =	vst v63  }
0x233: {  	_ = 	snop  }
0x234: {  	[hbm4b:s14+s2] =	stream.linear.scatter [tilespmem:s2], [sflag:$0x2], $0x10000, $0x38;
	[tilespmem:$0x10000] =	vst v63  }
0x235: {  	_ =	swait.ge [sflag:s3], $0x10000  }
0x236: {  	[sflag:s3] =	ssyncset.done $0x0  }
0x237: {  	[sflag:s3] =	ssyncadd.s32 $0xFFFF0000  }
0x238: {  	_ =	swait.ge [sflag:s3], $0x10000  }
0x239: {  	[sflag:s3] =	ssyncset.done $0x0  }
0x23a: {  	[sflag:s3] =	ssyncadd.s32 $0xFFFF0000  }
0x23b: {  	_ =	swait.ge [sflag:s3], $0x10000  }
0x23c: {  	[sflag:s3] =	ssyncset.done $0x0  }
0x23d: {  	[sflag:s3] =	ssyncadd.s32 $0xFFFF0000  }
0x23e: {  	_ =	swait.ge [sflag:s3], $0x10000  }
0x23f: {  	[sflag:s3] =	ssyncset.done $0x0  }
0x240: {  	[sflag:s3] =	ssyncadd.s32 $0xFFFF0000  }
0x241: {  	[tilespmem:s2], [sflag:$0x1] =	stream.linear.gather [hbm4b:s5+s2], $0x10000, $0x38;
	[tilespmem:$0x10000] =	vst v63  }
0x242: {  	_ =	swait.ge [sflag:s9], $0x10000  }
0x243: {  	[sflag:s9] =	ssyncset.done $0x0  }
0x244: {  	[sflag:s9] =	ssyncadd.s32 $0xFFFF0000  }
0x245: {  	[hbm4b:s4+s2] =	stream.linear.scatter [tilespmem:s2], [sflag:$0x2], $0x10000, $0x38;
	[tilespmem:$0x10000] =	vst v63  }
0x246: {  	_ = 	snop  }
0x247: {  	[hbm4b:s6+s2] =	stream.linear.scatter [tilespmem:s2], [sflag:$0x2], $0x10000, $0x38;
	[tilespmem:$0x10000] =	vst v63  }
0x248: {  	_ = 	snop  }
0x249: {  	[hbm4b:s7+s2] =	stream.linear.scatter [tilespmem:s2], [sflag:$0x2], $0x10000, $0x38;
	[tilespmem:$0x10000] =	vst v63  }
0x24a: {  	_ = 	snop  }
0x24b: {  	[hbm4b:s8+s2] =	stream.linear.scatter [tilespmem:s2], [sflag:$0x2], $0x10000, $0x38;
	[tilespmem:$0x10000] =	vst v63  }
0x24c: {  	_ =	swait.ge [sflag:s3], $0x10000  }
0x24d: {  	[sflag:s3] =	ssyncset.done $0x0  }
0x24e: {  	[sflag:s3] =	ssyncadd.s32 $0xFFFF0000  }
0x24f: {  	_ =	swait.ge [sflag:s3], $0x10000  }
0x250: {  	[sflag:s3] =	ssyncset.done $0x0  }
0x251: {  	[sflag:s3] =	ssyncadd.s32 $0xFFFF0000  }
0x252: {  	_ =	swait.ge [sflag:s3], $0x10000  }
0x253: {  	[sflag:s3] =	ssyncset.done $0x0  }
0x254: {  	[sflag:s3] =	ssyncadd.s32 $0xFFFF0000  }
0x255: {  	_ =	swait.ge [sflag:s3], $0x10000  }
0x256: {  	[sflag:s3] =	ssyncset.done $0x0  }
0x257: {  	[sflag:s3] =	ssyncadd.s32 $0xFFFF0000  }
0x258: {  	_ =	sfence.sel $0x180000  }
0x259: {  	[bflag:$0x0] =	sbarrier.arrive $0xFFFF  }
0x25a: {  	_ =	strace $0x90000047  }
0x25b: {  	s31 =	stileid.u32;
	[bflag:$0x2] =	sbarrier.arrive $0xFFFF  }
0x25c: {  	p0 =	sne.s32 s31, $0x0;
	s0 =	rddreg [dreg:$0x2]  }
0x25d: {  	s0 =	sadd.s32 @!p0 $0x100000, s0  }
0x25e: {  	[sflag:s0] =	ssyncadd.tile.s32 @!p0 $0x1;
	_ =	shalt  }
.Lfunc_end2:
_tile_overlayer_lowered:
.L_overlay_start_2:
0x25f: {  	(tag) =	ssettag $0x2  }
0x260: {  	s0 =	rddreg [dreg:$0x0];
	s2 =	stileid.u32  }
0x261: {  	s1 =	rddreg [dreg:$0x1];
	p0 =	sne.s32 s2, $0x0  }
0x262: {  	s3 =	rddreg [dreg:$0x2];
	[bflag:$0x3] =	sbarrier.arrive $0xFFFF;
	s2 =	simm.s32 @!p0 $0x1C03  }
0x263: {  	[timem:s3], [sflag:s2] =	dma.local @!p0 [hbm:s0], s1  }
0x264: {  	s0 =	simm.s32 @!p0 $0x3  }
0x265: {  	_ =	swait.ge @!p0 [sflag:s0], s1  }
0x266: {  	s1 =	ssub.s32 @!p0 $0x0, s1;
	[sflag:s0] =	ssyncset.done @!p0 $0x0  }
0x267: {  	[sflag:s0] =	ssyncadd.s32 @!p0 s1  }
0x268: {  	[bflag:$0x3] =	sbarrier.arrive $0xFFFF  }
0x269: {  	_ =	shalt  }

</sc_bundles>
